<compile_context>
chip_gen: v7x
topology: tpu7x:2x2x1
jax: 0.10.2.dev20260603
libtpu: 0.0.44.dev20260713+nightly
codegen_flags: <defaults>
</compile_context>

<pallas_src>
import functools

import jax
import jax.numpy as jnp
from jax import lax
from jax.experimental import pallas as pl
from jax.experimental.pallas import tpu as pltpu
from jax.experimental.pallas import tpu_sc as plsc

NC = 2
NS = 16
NW = NC * NS

CH = 64
NBUF = 2


def _sc_broadcast(B, L, D):
    rows_per_w = L // NW
    n_chunks = rows_per_w // CH
    mesh = plsc.VectorSubcoreMesh(core_axis_name="c", subcore_axis_name="s")

    @functools.partial(
        pl.kernel,
        mesh=mesh,
        out_type=jax.ShapeDtypeStruct((B, L, D), jnp.float32),
        scratch_types=[
            pltpu.VMEM((NBUF, CH, D), jnp.float32),
            pltpu.SemaphoreType.DMA,
            pltpu.SemaphoreType.DMA,
        ],
    )
    def k(emb_hbm, out_hbm, buf, sem_in, sem_out):
        wid = lax.axis_index("c") * NS + lax.axis_index("s")
        base = wid * rows_per_w

        fetch = [
            pltpu.make_async_copy(
                emb_hbm.at[pl.ds(base + i * CH, CH), :], buf.at[i % NBUF], sem_in
            )
            for i in range(n_chunks)
        ]
        stores = [
            [
                pltpu.make_async_copy(
                    buf.at[i % NBUF],
                    out_hbm.at[b, pl.ds(base + i * CH, CH), :],
                    sem_out,
                )
                for b in range(B)
            ]
            for i in range(n_chunks)
        ]

        for i in range(NBUF - 1):
            fetch[i].start()
        for i in range(n_chunks):
            fetch[i].wait()
            if i + NBUF - 1 < n_chunks:
                if i >= 1:
                    for c in stores[i - 1]:
                        c.wait()
                fetch[i + NBUF - 1].start()
            for c in stores[i]:
                c.start()
        for i in range(max(0, n_chunks - NBUF), n_chunks):
            for c in stores[i]:
                c.wait()

    return k


def _tc_broadcast(B, L, D):
    BLK = 512

    def body(emb_ref, o_ref):
        o_ref[...] = jnp.broadcast_to(emb_ref[...][None], (B, BLK, D))

    return pl.pallas_call(
        body,
        grid=(L // BLK,),
        in_specs=[pl.BlockSpec((BLK, D), lambda i: (i, 0))],
        out_specs=pl.BlockSpec((B, BLK, D), lambda i: (0, i, 0)),
        out_shape=jax.ShapeDtypeStruct((B, L, D), jnp.float32),
    )


def kernel(x, emb):
    B, L = x.shape[0], x.shape[1]
    D = emb.shape[1]
    half = B // 2
    sc_half = _sc_broadcast(half, L, D)(emb)
    tc_half = _tc_broadcast(B - half, L, D)(emb)
    return jnp.concatenate([sc_half, tc_half], axis=0)

# --- scband reference (transcript-rebuilt; emitter-appended) ---
"""Pipeline reference for scband-fixed-embedding-34119220199941 (READ-ONLY COPY).

The authoritative reference and input builder live on the scoring server;
editing this copy changes nothing except your own understanding.
"""

import jax, jax.numpy as jnp
import numpy as np

MAX_LENGTH = 8192
FEATURES = 1024

def setup_inputs(seed: int = 0) -> dict:
    key = jax.random.key(seed)
    k1, k2 = jax.random.split(key)
    x = jax.random.normal(k1, (4, 8192, 1024), dtype=jnp.float32)
    # learned parameter: nn.Embedding(max_length, features) weight table
    emb = jax.random.normal(k2, (MAX_LENGTH, FEATURES), dtype=jnp.float32)
    return {"x": x, "emb": emb}

def reference(x, emb):
    # x: [B, L, ...]; only batch_size and length are used
    B = x.shape[0]
    L = x.shape[1]
    position = jnp.arange(L)
    fixed_embedding = jnp.take(emb, position, axis=0)  # [L, D] gather
    # repeat 'n d -> b n d'
    out = jnp.broadcast_to(fixed_embedding[None, :, :], (B, L, emb.shape[1]))
    return out

if __name__ == "__main__":
    import jax
    _d = setup_inputs()
    print(jax.jit(kernel)(*tuple(_d.values())))

</pallas_src>

<mosaic_0001>
#map = affine_map<(d0, d1) -> (0, 0)>
#map1 = affine_map<(d0, d1) -> (0, 0, 0)>
module attributes {stable_mosaic.version = 14 : i64} {
  func.func @k(%arg0: i32, %arg1: i32, %arg2: memref<8192x1024xf32, #tpu.memory_space<hbm>>, %arg3: memref<2x8192x1024xf32, #tpu.memory_space<hbm>>, %arg4: memref<2x64x1024xf32, #tpu.memory_space<vmem>>, %arg5: memref<!tpu.dma_semaphore, #tpu.memory_space<semaphore_mem>>, %arg6: memref<!tpu.dma_semaphore, #tpu.memory_space<semaphore_mem>>) attributes {dimension_semantics = [#tpu.dimension_semantics<core_parallel>, #tpu.dimension_semantics<subcore_parallel>], iteration_bounds = array<i64: 2, 16>, scalar_prefetch = 0 : i64, scratch_operands = 3 : i64, tpu.core_type = #tpu.core_type<sc_vector_subcore>, window_params = [{transform_indices = #map}, {transform_indices = #map1}]} {
    %mul3A = arith.constant 16 : i32
    %mul3A_0 = arith.muli %arg0, %mul3A : i32
    %add3A = arith.addi %mul3A_0, %arg1 : i32
    %mul3A_1 = arith.constant 256 : i32
    %mul3A_2 = arith.muli %add3A, %mul3A_1 : i32
    %add3A_3 = arith.constant 0 : i32
    %add3A_4 = arith.addi %mul3A_2, %add3A_3 : i32
    %add3A_5 = arith.constant 64 : i32
    %add3A_6 = arith.addi %mul3A_2, %add3A_5 : i32
    %add3A_7 = arith.constant 128 : i32
    %add3A_8 = arith.addi %mul3A_2, %add3A_7 : i32
    %add3A_9 = arith.constant 192 : i32
    %add3A_10 = arith.addi %mul3A_2, %add3A_9 : i32
    %add3A_11 = arith.constant 0 : i32
    %add3A_12 = arith.addi %mul3A_2, %add3A_11 : i32
    %add3A_13 = arith.constant 0 : i32
    %add3A_14 = arith.addi %mul3A_2, %add3A_13 : i32
    %add3A_15 = arith.constant 64 : i32
    %add3A_16 = arith.addi %mul3A_2, %add3A_15 : i32
    %add3A_17 = arith.constant 64 : i32
    %add3A_18 = arith.addi %mul3A_2, %add3A_17 : i32
    %add3A_19 = arith.constant 128 : i32
    %add3A_20 = arith.addi %mul3A_2, %add3A_19 : i32
    %add3A_21 = arith.constant 128 : i32
    %add3A_22 = arith.addi %mul3A_2, %add3A_21 : i32
    %add3A_23 = arith.constant 192 : i32
    %add3A_24 = arith.addi %mul3A_2, %add3A_23 : i32
    %add3A_25 = arith.constant 192 : i32
    %add3A_26 = arith.addi %mul3A_2, %add3A_25 : i32
    %dma_start3A = arith.constant 0 : i32
    %dma_start3A_27 = arith.constant 0 : i32
    %dma_start3A_28 = arith.constant 0 : i32
    %dma_start3A_29 = tpu.memref_slice %arg4[%dma_start3A, %dma_start3A_27, %dma_start3A_28] : memref<2x64x1024xf32, #tpu.memory_space<vmem>> -> memref<1x64x1024xf32, #tpu.memory_space<vmem>>
    %dma_start3A_30 = tpu.memref_squeeze %dma_start3A_29 : memref<1x64x1024xf32, #tpu.memory_space<vmem>> -> memref<64x1024xf32, #tpu.memory_space<vmem>>
    %dma_start3A_31 = arith.constant 0 : i32
    %dma_start3A_32 = tpu.memref_slice %arg2[%add3A_4, %dma_start3A_31] : memref<8192x1024xf32, #tpu.memory_space<hbm>> -> memref<64x1024xf32, #tpu.memory_space<hbm>>
    %dma_start3A_33 = arith.constant 0 : i32
    %dma_start3A_34 = arith.constant 0 : i32
    %dma_start3A_35 = tpu.memref_slice %arg4[%dma_start3A, %dma_start3A_33, %dma_start3A_34] : memref<2x64x1024xf32, #tpu.memory_space<vmem>> -> memref<1x64x1024xf32, #tpu.memory_space<vmem>>
    %dma_start3A_36 = tpu.memref_squeeze %dma_start3A_35 : memref<1x64x1024xf32, #tpu.memory_space<vmem>> -> memref<64x1024xf32, #tpu.memory_space<vmem>>
    %dma_start3A_37 = arith.constant 0 : i32
    %dma_start3A_38 = tpu.memref_slice %arg2[%add3A_4, %dma_start3A_37] : memref<8192x1024xf32, #tpu.memory_space<hbm>> -> memref<64x1024xf32, #tpu.memory_space<hbm>>
    tpu.enqueue_dma source(%dma_start3A_38 : memref<64x1024xf32, #tpu.memory_space<hbm>>) target(%dma_start3A_36 : memref<64x1024xf32, #tpu.memory_space<vmem>>) target_semaphore(%arg5 : memref<!tpu.dma_semaphore, #tpu.memory_space<semaphore_mem>>)
    %dma_wait3A = arith.constant 0 : i32
    %dma_wait3A_39 = arith.constant 0 : i32
    %dma_wait3A_40 = arith.constant 0 : i32
    %dma_wait3A_41 = tpu.memref_slice %arg4[%dma_wait3A, %dma_wait3A_39, %dma_wait3A_40] : memref<2x64x1024xf32, #tpu.memory_space<vmem>> -> memref<1x64x1024xf32, #tpu.memory_space<vmem>>
    %dma_wait3A_42 = tpu.memref_squeeze %dma_wait3A_41 : memref<1x64x1024xf32, #tpu.memory_space<vmem>> -> memref<64x1024xf32, #tpu.memory_space<vmem>>
    %dma_wait3A_43 = arith.constant 0 : i32
    %dma_wait3A_44 = tpu.memref_slice %arg2[%add3A_4, %dma_wait3A_43] : memref<8192x1024xf32, #tpu.memory_space<hbm>> -> memref<64x1024xf32, #tpu.memory_space<hbm>>
    %dma_wait3A_45 = arith.constant 0 : i32
    %dma_wait3A_46 = arith.constant 0 : i32
    %dma_wait3A_47 = tpu.memref_slice %arg4[%dma_wait3A, %dma_wait3A_45, %dma_wait3A_46] : memref<2x64x1024xf32, #tpu.memory_space<vmem>> -> memref<1x64x1024xf32, #tpu.memory_space<vmem>>
    %dma_wait3A_48 = tpu.memref_squeeze %dma_wait3A_47 : memref<1x64x1024xf32, #tpu.memory_space<vmem>> -> memref<64x1024xf32, #tpu.memory_space<vmem>>
    %dma_wait3A_49 = arith.constant 0 : i32
    %dma_wait3A_50 = tpu.memref_slice %arg2[%add3A_4, %dma_wait3A_49] : memref<8192x1024xf32, #tpu.memory_space<hbm>> -> memref<64x1024xf32, #tpu.memory_space<hbm>>
    tpu.wait_dma2 semaphore(%arg5 : memref<!tpu.dma_semaphore, #tpu.memory_space<semaphore_mem>>) src(%dma_wait3A_50 : memref<64x1024xf32, #tpu.memory_space<hbm>>) dst(%dma_wait3A_48 : memref<64x1024xf32, #tpu.memory_space<vmem>>)
    %dma_start3A_51 = arith.constant 1 : i32
    %dma_start3A_52 = arith.constant 0 : i32
    %dma_start3A_53 = arith.constant 0 : i32
    %dma_start3A_54 = tpu.memref_slice %arg4[%dma_start3A_51, %dma_start3A_52, %dma_start3A_53] : memref<2x64x1024xf32, #tpu.memory_space<vmem>> -> memref<1x64x1024xf32, #tpu.memory_space<vmem>>
    %dma_start3A_55 = tpu.memref_squeeze %dma_start3A_54 : memref<1x64x1024xf32, #tpu.memory_space<vmem>> -> memref<64x1024xf32, #tpu.memory_space<vmem>>
    %dma_start3A_56 = arith.constant 0 : i32
    %dma_start3A_57 = tpu.memref_slice %arg2[%add3A_6, %dma_start3A_56] : memref<8192x1024xf32, #tpu.memory_space<hbm>> -> memref<64x1024xf32, #tpu.memory_space<hbm>>
    %dma_start3A_58 = arith.constant 0 : i32
    %dma_start3A_59 = arith.constant 0 : i32
    %dma_start3A_60 = tpu.memref_slice %arg4[%dma_start3A_51, %dma_start3A_58, %dma_start3A_59] : memref<2x64x1024xf32, #tpu.memory_space<vmem>> -> memref<1x64x1024xf32, #tpu.memory_space<vmem>>
    %dma_start3A_61 = tpu.memref_squeeze %dma_start3A_60 : memref<1x64x1024xf32, #tpu.memory_space<vmem>> -> memref<64x1024xf32, #tpu.memory_space<vmem>>
    %dma_start3A_62 = arith.constant 0 : i32
    %dma_start3A_63 = tpu.memref_slice %arg2[%add3A_6, %dma_start3A_62] : memref<8192x1024xf32, #tpu.memory_space<hbm>> -> memref<64x1024xf32, #tpu.memory_space<hbm>>
    tpu.enqueue_dma source(%dma_start3A_63 : memref<64x1024xf32, #tpu.memory_space<hbm>>) target(%dma_start3A_61 : memref<64x1024xf32, #tpu.memory_space<vmem>>) target_semaphore(%arg5 : memref<!tpu.dma_semaphore, #tpu.memory_space<semaphore_mem>>)
    %dma_start3A_64 = arith.constant 0 : i32
    %dma_start3A_65 = arith.constant 0 : i32
    %dma_start3A_66 = arith.constant 0 : i32
    %dma_start3A_67 = arith.constant 0 : i32
    %dma_start3A_68 = tpu.memref_slice %arg4[%dma_start3A_64, %dma_start3A_66, %dma_start3A_67] : memref<2x64x1024xf32, #tpu.memory_space<vmem>> -> memref<1x64x1024xf32, #tpu.memory_space<vmem>>
    %dma_start3A_69 = tpu.memref_squeeze %dma_start3A_68 : memref<1x64x1024xf32, #tpu.memory_space<vmem>> -> memref<64x1024xf32, #tpu.memory_space<vmem>>
    %dma_start3A_70 = arith.constant 0 : i32
    %dma_start3A_71 = tpu.memref_slice %arg3[%dma_start3A_65, %add3A_12, %dma_start3A_70] : memref<2x8192x1024xf32, #tpu.memory_space<hbm>> -> memref<1x64x1024xf32, #tpu.memory_space<hbm>>
    %dma_start3A_72 = tpu.memref_squeeze %dma_start3A_71 : memref<1x64x1024xf32, #tpu.memory_space<hbm>> -> memref<64x1024xf32, #tpu.memory_space<hbm>>
    %dma_start3A_73 = arith.constant 0 : i32
    %dma_start3A_74 = tpu.memref_slice %arg3[%dma_start3A_65, %add3A_12, %dma_start3A_73] : memref<2x8192x1024xf32, #tpu.memory_space<hbm>> -> memref<1x64x1024xf32, #tpu.memory_space<hbm>>
    %dma_start3A_75 = tpu.memref_squeeze %dma_start3A_74 : memref<1x64x1024xf32, #tpu.memory_space<hbm>> -> memref<64x1024xf32, #tpu.memory_space<hbm>>
    %dma_start3A_76 = arith.constant 0 : i32
    %dma_start3A_77 = arith.constant 0 : i32
    %dma_start3A_78 = tpu.memref_slice %arg4[%dma_start3A_64, %dma_start3A_76, %dma_start3A_77] : memref<2x64x1024xf32, #tpu.memory_space<vmem>> -> memref<1x64x1024xf32, #tpu.memory_space<vmem>>
    %dma_start3A_79 = tpu.memref_squeeze %dma_start3A_78 : memref<1x64x1024xf32, #tpu.memory_space<vmem>> -> memref<64x1024xf32, #tpu.memory_space<vmem>>
    tpu.enqueue_dma source(%dma_start3A_79 : memref<64x1024xf32, #tpu.memory_space<vmem>>) target(%dma_start3A_75 : memref<64x1024xf32, #tpu.memory_space<hbm>>) target_semaphore(%arg6 : memref<!tpu.dma_semaphore, #tpu.memory_space<semaphore_mem>>)
    %dma_start3A_80 = arith.constant 0 : i32
    %dma_start3A_81 = arith.constant 1 : i32
    %dma_start3A_82 = arith.constant 0 : i32
    %dma_start3A_83 = arith.constant 0 : i32
    %dma_start3A_84 = tpu.memref_slice %arg4[%dma_start3A_80, %dma_start3A_82, %dma_start3A_83] : memref<2x64x1024xf32, #tpu.memory_space<vmem>> -> memref<1x64x1024xf32, #tpu.memory_space<vmem>>
    %dma_start3A_85 = tpu.memref_squeeze %dma_start3A_84 : memref<1x64x1024xf32, #tpu.memory_space<vmem>> -> memref<64x1024xf32, #tpu.memory_space<vmem>>
    %dma_start3A_86 = arith.constant 0 : i32
    %dma_start3A_87 = tpu.memref_slice %arg3[%dma_start3A_81, %add3A_14, %dma_start3A_86] : memref<2x8192x1024xf32, #tpu.memory_space<hbm>> -> memref<1x64x1024xf32, #tpu.memory_space<hbm>>
    %dma_start3A_88 = tpu.memref_squeeze %dma_start3A_87 : memref<1x64x1024xf32, #tpu.memory_space<hbm>> -> memref<64x1024xf32, #tpu.memory_space<hbm>>
    %dma_start3A_89 = arith.constant 0 : i32
    %dma_start3A_90 = tpu.memref_slice %arg3[%dma_start3A_81, %add3A_14, %dma_start3A_89] : memref<2x8192x1024xf32, #tpu.memory_space<hbm>> -> memref<1x64x1024xf32, #tpu.memory_space<hbm>>
    %dma_start3A_91 = tpu.memref_squeeze %dma_start3A_90 : memref<1x64x1024xf32, #tpu.memory_space<hbm>> -> memref<64x1024xf32, #tpu.memory_space<hbm>>
    %dma_start3A_92 = arith.constant 0 : i32
    %dma_start3A_93 = arith.constant 0 : i32
    %dma_start3A_94 = tpu.memref_slice %arg4[%dma_start3A_80, %dma_start3A_92, %dma_start3A_93] : memref<2x64x1024xf32, #tpu.memory_space<vmem>> -> memref<1x64x1024xf32, #tpu.memory_space<vmem>>
    %dma_start3A_95 = tpu.memref_squeeze %dma_start3A_94 : memref<1x64x1024xf32, #tpu.memory_space<vmem>> -> memref<64x1024xf32, #tpu.memory_space<vmem>>
    tpu.enqueue_dma source(%dma_start3A_95 : memref<64x1024xf32, #tpu.memory_space<vmem>>) target(%dma_start3A_91 : memref<64x1024xf32, #tpu.memory_space<hbm>>) target_semaphore(%arg6 : memref<!tpu.dma_semaphore, #tpu.memory_space<semaphore_mem>>)
    %dma_wait3A_96 = arith.constant 1 : i32
    %dma_wait3A_97 = arith.constant 0 : i32
    %dma_wait3A_98 = arith.constant 0 : i32
    %dma_wait3A_99 = tpu.memref_slice %arg4[%dma_wait3A_96, %dma_wait3A_97, %dma_wait3A_98] : memref<2x64x1024xf32, #tpu.memory_space<vmem>> -> memref<1x64x1024xf32, #tpu.memory_space<vmem>>
    %dma_wait3A_100 = tpu.memref_squeeze %dma_wait3A_99 : memref<1x64x1024xf32, #tpu.memory_space<vmem>> -> memref<64x1024xf32, #tpu.memory_space<vmem>>
    %dma_wait3A_101 = arith.constant 0 : i32
    %dma_wait3A_102 = tpu.memref_slice %arg2[%add3A_6, %dma_wait3A_101] : memref<8192x1024xf32, #tpu.memory_space<hbm>> -> memref<64x1024xf32, #tpu.memory_space<hbm>>
    %dma_wait3A_103 = arith.constant 0 : i32
    %dma_wait3A_104 = arith.constant 0 : i32
    %dma_wait3A_105 = tpu.memref_slice %arg4[%dma_wait3A_96, %dma_wait3A_103, %dma_wait3A_104] : memref<2x64x1024xf32, #tpu.memory_space<vmem>> -> memref<1x64x1024xf32, #tpu.memory_space<vmem>>
    %dma_wait3A_106 = tpu.memref_squeeze %dma_wait3A_105 : memref<1x64x1024xf32, #tpu.memory_space<vmem>> -> memref<64x1024xf32, #tpu.memory_space<vmem>>
    %dma_wait3A_107 = arith.constant 0 : i32
    %dma_wait3A_108 = tpu.memref_slice %arg2[%add3A_6, %dma_wait3A_107] : memref<8192x1024xf32, #tpu.memory_space<hbm>> -> memref<64x1024xf32, #tpu.memory_space<hbm>>
    tpu.wait_dma2 semaphore(%arg5 : memref<!tpu.dma_semaphore, #tpu.memory_space<semaphore_mem>>) src(%dma_wait3A_108 : memref<64x1024xf32, #tpu.memory_space<hbm>>) dst(%dma_wait3A_106 : memref<64x1024xf32, #tpu.memory_space<vmem>>)
    %dma_wait3A_109 = arith.constant 0 : i32
    %dma_wait3A_110 = arith.constant 0 : i32
    %dma_wait3A_111 = arith.constant 0 : i32
    %dma_wait3A_112 = arith.constant 0 : i32
    %dma_wait3A_113 = tpu.memref_slice %arg4[%dma_wait3A_109, %dma_wait3A_111, %dma_wait3A_112] : memref<2x64x1024xf32, #tpu.memory_space<vmem>> -> memref<1x64x1024xf32, #tpu.memory_space<vmem>>
    %dma_wait3A_114 = tpu.memref_squeeze %dma_wait3A_113 : memref<1x64x1024xf32, #tpu.memory_space<vmem>> -> memref<64x1024xf32, #tpu.memory_space<vmem>>
    %dma_wait3A_115 = arith.constant 0 : i32
    %dma_wait3A_116 = tpu.memref_slice %arg3[%dma_wait3A_110, %add3A_12, %dma_wait3A_115] : memref<2x8192x1024xf32, #tpu.memory_space<hbm>> -> memref<1x64x1024xf32, #tpu.memory_space<hbm>>
    %dma_wait3A_117 = tpu.memref_squeeze %dma_wait3A_116 : memref<1x64x1024xf32, #tpu.memory_space<hbm>> -> memref<64x1024xf32, #tpu.memory_space<hbm>>
    %dma_wait3A_118 = arith.constant 0 : i32
    %dma_wait3A_119 = tpu.memref_slice %arg3[%dma_wait3A_110, %add3A_12, %dma_wait3A_118] : memref<2x8192x1024xf32, #tpu.memory_space<hbm>> -> memref<1x64x1024xf32, #tpu.memory_space<hbm>>
    %dma_wait3A_120 = tpu.memref_squeeze %dma_wait3A_119 : memref<1x64x1024xf32, #tpu.memory_space<hbm>> -> memref<64x1024xf32, #tpu.memory_space<hbm>>
    %dma_wait3A_121 = arith.constant 0 : i32
    %dma_wait3A_122 = arith.constant 0 : i32
    %dma_wait3A_123 = tpu.memref_slice %arg4[%dma_wait3A_109, %dma_wait3A_121, %dma_wait3A_122] : memref<2x64x1024xf32, #tpu.memory_space<vmem>> -> memref<1x64x1024xf32, #tpu.memory_space<vmem>>
    %dma_wait3A_124 = tpu.memref_squeeze %dma_wait3A_123 : memref<1x64x1024xf32, #tpu.memory_space<vmem>> -> memref<64x1024xf32, #tpu.memory_space<vmem>>
    tpu.wait_dma2 semaphore(%arg6 : memref<!tpu.dma_semaphore, #tpu.memory_space<semaphore_mem>>) src(%dma_wait3A_124 : memref<64x1024xf32, #tpu.memory_space<vmem>>) dst(%dma_wait3A_120 : memref<64x1024xf32, #tpu.memory_space<hbm>>)
    %dma_wait3A_125 = arith.constant 0 : i32
    %dma_wait3A_126 = arith.constant 1 : i32
    %dma_wait3A_127 = arith.constant 0 : i32
    %dma_wait3A_128 = arith.constant 0 : i32
    %dma_wait3A_129 = tpu.memref_slice %arg4[%dma_wait3A_125, %dma_wait3A_127, %dma_wait3A_128] : memref<2x64x1024xf32, #tpu.memory_space<vmem>> -> memref<1x64x1024xf32, #tpu.memory_space<vmem>>
    %dma_wait3A_130 = tpu.memref_squeeze %dma_wait3A_129 : memref<1x64x1024xf32, #tpu.memory_space<vmem>> -> memref<64x1024xf32, #tpu.memory_space<vmem>>
    %dma_wait3A_131 = arith.constant 0 : i32
    %dma_wait3A_132 = tpu.memref_slice %arg3[%dma_wait3A_126, %add3A_14, %dma_wait3A_131] : memref<2x8192x1024xf32, #tpu.memory_space<hbm>> -> memref<1x64x1024xf32, #tpu.memory_space<hbm>>
    %dma_wait3A_133 = tpu.memref_squeeze %dma_wait3A_132 : memref<1x64x1024xf32, #tpu.memory_space<hbm>> -> memref<64x1024xf32, #tpu.memory_space<hbm>>
    %dma_wait3A_134 = arith.constant 0 : i32
    %dma_wait3A_135 = tpu.memref_slice %arg3[%dma_wait3A_126, %add3A_14, %dma_wait3A_134] : memref<2x8192x1024xf32, #tpu.memory_space<hbm>> -> memref<1x64x1024xf32, #tpu.memory_space<hbm>>
    %dma_wait3A_136 = tpu.memref_squeeze %dma_wait3A_135 : memref<1x64x1024xf32, #tpu.memory_space<hbm>> -> memref<64x1024xf32, #tpu.memory_space<hbm>>
    %dma_wait3A_137 = arith.constant 0 : i32
    %dma_wait3A_138 = arith.constant 0 : i32
    %dma_wait3A_139 = tpu.memref_slice %arg4[%dma_wait3A_125, %dma_wait3A_137, %dma_wait3A_138] : memref<2x64x1024xf32, #tpu.memory_space<vmem>> -> memref<1x64x1024xf32, #tpu.memory_space<vmem>>
    %dma_wait3A_140 = tpu.memref_squeeze %dma_wait3A_139 : memref<1x64x1024xf32, #tpu.memory_space<vmem>> -> memref<64x1024xf32, #tpu.memory_space<vmem>>
    tpu.wait_dma2 semaphore(%arg6 : memref<!tpu.dma_semaphore, #tpu.memory_space<semaphore_mem>>) src(%dma_wait3A_140 : memref<64x1024xf32, #tpu.memory_space<vmem>>) dst(%dma_wait3A_136 : memref<64x1024xf32, #tpu.memory_space<hbm>>)
    %dma_start3A_141 = arith.constant 0 : i32
    %dma_start3A_142 = arith.constant 0 : i32
    %dma_start3A_143 = arith.constant 0 : i32
    %dma_start3A_144 = tpu.memref_slice %arg4[%dma_start3A_141, %dma_start3A_142, %dma_start3A_143] : memref<2x64x1024xf32, #tpu.memory_space<vmem>> -> memref<1x64x1024xf32, #tpu.memory_space<vmem>>
    %dma_start3A_145 = tpu.memref_squeeze %dma_start3A_144 : memref<1x64x1024xf32, #tpu.memory_space<vmem>> -> memref<64x1024xf32, #tpu.memory_space<vmem>>
    %dma_start3A_146 = arith.constant 0 : i32
    %dma_start3A_147 = tpu.memref_slice %arg2[%add3A_8, %dma_start3A_146] : memref<8192x1024xf32, #tpu.memory_space<hbm>> -> memref<64x1024xf32, #tpu.memory_space<hbm>>
    %dma_start3A_148 = arith.constant 0 : i32
    %dma_start3A_149 = arith.constant 0 : i32
    %dma_start3A_150 = tpu.memref_slice %arg4[%dma_start3A_141, %dma_start3A_148, %dma_start3A_149] : memref<2x64x1024xf32, #tpu.memory_space<vmem>> -> memref<1x64x1024xf32, #tpu.memory_space<vmem>>
    %dma_start3A_151 = tpu.memref_squeeze %dma_start3A_150 : memref<1x64x1024xf32, #tpu.memory_space<vmem>> -> memref<64x1024xf32, #tpu.memory_space<vmem>>
    %dma_start3A_152 = arith.constant 0 : i32
    %dma_start3A_153 = tpu.memref_slice %arg2[%add3A_8, %dma_start3A_152] : memref<8192x1024xf32, #tpu.memory_space<hbm>> -> memref<64x1024xf32, #tpu.memory_space<hbm>>
    tpu.enqueue_dma source(%dma_start3A_153 : memref<64x1024xf32, #tpu.memory_space<hbm>>) target(%dma_start3A_151 : memref<64x1024xf32, #tpu.memory_space<vmem>>) target_semaphore(%arg5 : memref<!tpu.dma_semaphore, #tpu.memory_space<semaphore_mem>>)
    %dma_start3A_154 = arith.constant 1 : i32
    %dma_start3A_155 = arith.constant 0 : i32
    %dma_start3A_156 = arith.constant 0 : i32
    %dma_start3A_157 = arith.constant 0 : i32
    %dma_start3A_158 = tpu.memref_slice %arg4[%dma_start3A_154, %dma_start3A_156, %dma_start3A_157] : memref<2x64x1024xf32, #tpu.memory_space<vmem>> -> memref<1x64x1024xf32, #tpu.memory_space<vmem>>
    %dma_start3A_159 = tpu.memref_squeeze %dma_start3A_158 : memref<1x64x1024xf32, #tpu.memory_space<vmem>> -> memref<64x1024xf32, #tpu.memory_space<vmem>>
    %dma_start3A_160 = arith.constant 0 : i32
    %dma_start3A_161 = tpu.memref_slice %arg3[%dma_start3A_155, %add3A_16, %dma_start3A_160] : memref<2x8192x1024xf32, #tpu.memory_space<hbm>> -> memref<1x64x1024xf32, #tpu.memory_space<hbm>>
    %dma_start3A_162 = tpu.memref_squeeze %dma_start3A_161 : memref<1x64x1024xf32, #tpu.memory_space<hbm>> -> memref<64x1024xf32, #tpu.memory_space<hbm>>
    %dma_start3A_163 = arith.constant 0 : i32
    %dma_start3A_164 = tpu.memref_slice %arg3[%dma_start3A_155, %add3A_16, %dma_start3A_163] : memref<2x8192x1024xf32, #tpu.memory_space<hbm>> -> memref<1x64x1024xf32, #tpu.memory_space<hbm>>
    %dma_start3A_165 = tpu.memref_squeeze %dma_start3A_164 : memref<1x64x1024xf32, #tpu.memory_space<hbm>> -> memref<64x1024xf32, #tpu.memory_space<hbm>>
    %dma_start3A_166 = arith.constant 0 : i32
    %dma_start3A_167 = arith.constant 0 : i32
    %dma_start3A_168 = tpu.memref_slice %arg4[%dma_start3A_154, %dma_start3A_166, %dma_start3A_167] : memref<2x64x1024xf32, #tpu.memory_space<vmem>> -> memref<1x64x1024xf32, #tpu.memory_space<vmem>>
    %dma_start3A_169 = tpu.memref_squeeze %dma_start3A_168 : memref<1x64x1024xf32, #tpu.memory_space<vmem>> -> memref<64x1024xf32, #tpu.memory_space<vmem>>
    tpu.enqueue_dma source(%dma_start3A_169 : memref<64x1024xf32, #tpu.memory_space<vmem>>) target(%dma_start3A_165 : memref<64x1024xf32, #tpu.memory_space<hbm>>) target_semaphore(%arg6 : memref<!tpu.dma_semaphore, #tpu.memory_space<semaphore_mem>>)
    %dma_start3A_170 = arith.constant 1 : i32
    %dma_start3A_171 = arith.constant 1 : i32
    %dma_start3A_172 = arith.constant 0 : i32
    %dma_start3A_173 = arith.constant 0 : i32
    %dma_start3A_174 = tpu.memref_slice %arg4[%dma_start3A_170, %dma_start3A_172, %dma_start3A_173] : memref<2x64x1024xf32, #tpu.memory_space<vmem>> -> memref<1x64x1024xf32, #tpu.memory_space<vmem>>
    %dma_start3A_175 = tpu.memref_squeeze %dma_start3A_174 : memref<1x64x1024xf32, #tpu.memory_space<vmem>> -> memref<64x1024xf32, #tpu.memory_space<vmem>>
    %dma_start3A_176 = arith.constant 0 : i32
    %dma_start3A_177 = tpu.memref_slice %arg3[%dma_start3A_171, %add3A_18, %dma_start3A_176] : memref<2x8192x1024xf32, #tpu.memory_space<hbm>> -> memref<1x64x1024xf32, #tpu.memory_space<hbm>>
    %dma_start3A_178 = tpu.memref_squeeze %dma_start3A_177 : memref<1x64x1024xf32, #tpu.memory_space<hbm>> -> memref<64x1024xf32, #tpu.memory_space<hbm>>
    %dma_start3A_179 = arith.constant 0 : i32
    %dma_start3A_180 = tpu.memref_slice %arg3[%dma_start3A_171, %add3A_18, %dma_start3A_179] : memref<2x8192x1024xf32, #tpu.memory_space<hbm>> -> memref<1x64x1024xf32, #tpu.memory_space<hbm>>
    %dma_start3A_181 = tpu.memref_squeeze %dma_start3A_180 : memref<1x64x1024xf32, #tpu.memory_space<hbm>> -> memref<64x1024xf32, #tpu.memory_space<hbm>>
    %dma_start3A_182 = arith.constant 0 : i32
    %dma_start3A_183 = arith.constant 0 : i32
    %dma_start3A_184 = tpu.memref_slice %arg4[%dma_start3A_170, %dma_start3A_182, %dma_start3A_183] : memref<2x64x1024xf32, #tpu.memory_space<vmem>> -> memref<1x64x1024xf32, #tpu.memory_space<vmem>>
    %dma_start3A_185 = tpu.memref_squeeze %dma_start3A_184 : memref<1x64x1024xf32, #tpu.memory_space<vmem>> -> memref<64x1024xf32, #tpu.memory_space<vmem>>
    tpu.enqueue_dma source(%dma_start3A_185 : memref<64x1024xf32, #tpu.memory_space<vmem>>) target(%dma_start3A_181 : memref<64x1024xf32, #tpu.memory_space<hbm>>) target_semaphore(%arg6 : memref<!tpu.dma_semaphore, #tpu.memory_space<semaphore_mem>>)
    %dma_wait3A_186 = arith.constant 0 : i32
    %dma_wait3A_187 = arith.constant 0 : i32
    %dma_wait3A_188 = arith.constant 0 : i32
    %dma_wait3A_189 = tpu.memref_slice %arg4[%dma_wait3A_186, %dma_wait3A_187, %dma_wait3A_188] : memref<2x64x1024xf32, #tpu.memory_space<vmem>> -> memref<1x64x1024xf32, #tpu.memory_space<vmem>>
    %dma_wait3A_190 = tpu.memref_squeeze %dma_wait3A_189 : memref<1x64x1024xf32, #tpu.memory_space<vmem>> -> memref<64x1024xf32, #tpu.memory_space<vmem>>
    %dma_wait3A_191 = arith.constant 0 : i32
    %dma_wait3A_192 = tpu.memref_slice %arg2[%add3A_8, %dma_wait3A_191] : memref<8192x1024xf32, #tpu.memory_space<hbm>> -> memref<64x1024xf32, #tpu.memory_space<hbm>>
    %dma_wait3A_193 = arith.constant 0 : i32
    %dma_wait3A_194 = arith.constant 0 : i32
    %dma_wait3A_195 = tpu.memref_slice %arg4[%dma_wait3A_186, %dma_wait3A_193, %dma_wait3A_194] : memref<2x64x1024xf32, #tpu.memory_space<vmem>> -> memref<1x64x1024xf32, #tpu.memory_space<vmem>>
    %dma_wait3A_196 = tpu.memref_squeeze %dma_wait3A_195 : memref<1x64x1024xf32, #tpu.memory_space<vmem>> -> memref<64x1024xf32, #tpu.memory_space<vmem>>
    %dma_wait3A_197 = arith.constant 0 : i32
    %dma_wait3A_198 = tpu.memref_slice %arg2[%add3A_8, %dma_wait3A_197] : memref<8192x1024xf32, #tpu.memory_space<hbm>> -> memref<64x1024xf32, #tpu.memory_space<hbm>>
    tpu.wait_dma2 semaphore(%arg5 : memref<!tpu.dma_semaphore, #tpu.memory_space<semaphore_mem>>) src(%dma_wait3A_198 : memref<64x1024xf32, #tpu.memory_space<hbm>>) dst(%dma_wait3A_196 : memref<64x1024xf32, #tpu.memory_space<vmem>>)
    %dma_wait3A_199 = arith.constant 1 : i32
    %dma_wait3A_200 = arith.constant 0 : i32
    %dma_wait3A_201 = arith.constant 0 : i32
    %dma_wait3A_202 = arith.constant 0 : i32
    %dma_wait3A_203 = tpu.memref_slice %arg4[%dma_wait3A_199, %dma_wait3A_201, %dma_wait3A_202] : memref<2x64x1024xf32, #tpu.memory_space<vmem>> -> memref<1x64x1024xf32, #tpu.memory_space<vmem>>
    %dma_wait3A_204 = tpu.memref_squeeze %dma_wait3A_203 : memref<1x64x1024xf32, #tpu.memory_space<vmem>> -> memref<64x1024xf32, #tpu.memory_space<vmem>>
    %dma_wait3A_205 = arith.constant 0 : i32
    %dma_wait3A_206 = tpu.memref_slice %arg3[%dma_wait3A_200, %add3A_16, %dma_wait3A_205] : memref<2x8192x1024xf32, #tpu.memory_space<hbm>> -> memref<1x64x1024xf32, #tpu.memory_space<hbm>>
    %dma_wait3A_207 = tpu.memref_squeeze %dma_wait3A_206 : memref<1x64x1024xf32, #tpu.memory_space<hbm>> -> memref<64x1024xf32, #tpu.memory_space<hbm>>
    %dma_wait3A_208 = arith.constant 0 : i32
    %dma_wait3A_209 = tpu.memref_slice %arg3[%dma_wait3A_200, %add3A_16, %dma_wait3A_208] : memref<2x8192x1024xf32, #tpu.memory_space<hbm>> -> memref<1x64x1024xf32, #tpu.memory_space<hbm>>
    %dma_wait3A_210 = tpu.memref_squeeze %dma_wait3A_209 : memref<1x64x1024xf32, #tpu.memory_space<hbm>> -> memref<64x1024xf32, #tpu.memory_space<hbm>>
    %dma_wait3A_211 = arith.constant 0 : i32
    %dma_wait3A_212 = arith.constant 0 : i32
    %dma_wait3A_213 = tpu.memref_slice %arg4[%dma_wait3A_199, %dma_wait3A_211, %dma_wait3A_212] : memref<2x64x1024xf32, #tpu.memory_space<vmem>> -> memref<1x64x1024xf32, #tpu.memory_space<vmem>>
    %dma_wait3A_214 = tpu.memref_squeeze %dma_wait3A_213 : memref<1x64x1024xf32, #tpu.memory_space<vmem>> -> memref<64x1024xf32, #tpu.memory_space<vmem>>
    tpu.wait_dma2 semaphore(%arg6 : memref<!tpu.dma_semaphore, #tpu.memory_space<semaphore_mem>>) src(%dma_wait3A_214 : memref<64x1024xf32, #tpu.memory_space<vmem>>) dst(%dma_wait3A_210 : memref<64x1024xf32, #tpu.memory_space<hbm>>)
    %dma_wait3A_215 = arith.constant 1 : i32
    %dma_wait3A_216 = arith.constant 1 : i32
    %dma_wait3A_217 = arith.constant 0 : i32
    %dma_wait3A_218 = arith.constant 0 : i32
    %dma_wait3A_219 = tpu.memref_slice %arg4[%dma_wait3A_215, %dma_wait3A_217, %dma_wait3A_218] : memref<2x64x1024xf32, #tpu.memory_space<vmem>> -> memref<1x64x1024xf32, #tpu.memory_space<vmem>>
    %dma_wait3A_220 = tpu.memref_squeeze %dma_wait3A_219 : memref<1x64x1024xf32, #tpu.memory_space<vmem>> -> memref<64x1024xf32, #tpu.memory_space<vmem>>
    %dma_wait3A_221 = arith.constant 0 : i32
    %dma_wait3A_222 = tpu.memref_slice %arg3[%dma_wait3A_216, %add3A_18, %dma_wait3A_221] : memref<2x8192x1024xf32, #tpu.memory_space<hbm>> -> memref<1x64x1024xf32, #tpu.memory_space<hbm>>
    %dma_wait3A_223 = tpu.memref_squeeze %dma_wait3A_222 : memref<1x64x1024xf32, #tpu.memory_space<hbm>> -> memref<64x1024xf32, #tpu.memory_space<hbm>>
    %dma_wait3A_224 = arith.constant 0 : i32
    %dma_wait3A_225 = tpu.memref_slice %arg3[%dma_wait3A_216, %add3A_18, %dma_wait3A_224] : memref<2x8192x1024xf32, #tpu.memory_space<hbm>> -> memref<1x64x1024xf32, #tpu.memory_space<hbm>>
    %dma_wait3A_226 = tpu.memref_squeeze %dma_wait3A_225 : memref<1x64x1024xf32, #tpu.memory_space<hbm>> -> memref<64x1024xf32, #tpu.memory_space<hbm>>
    %dma_wait3A_227 = arith.constant 0 : i32
    %dma_wait3A_228 = arith.constant 0 : i32
    %dma_wait3A_229 = tpu.memref_slice %arg4[%dma_wait3A_215, %dma_wait3A_227, %dma_wait3A_228] : memref<2x64x1024xf32, #tpu.memory_space<vmem>> -> memref<1x64x1024xf32, #tpu.memory_space<vmem>>
    %dma_wait3A_230 = tpu.memref_squeeze %dma_wait3A_229 : memref<1x64x1024xf32, #tpu.memory_space<vmem>> -> memref<64x1024xf32, #tpu.memory_space<vmem>>
    tpu.wait_dma2 semaphore(%arg6 : memref<!tpu.dma_semaphore, #tpu.memory_space<semaphore_mem>>) src(%dma_wait3A_230 : memref<64x1024xf32, #tpu.memory_space<vmem>>) dst(%dma_wait3A_226 : memref<64x1024xf32, #tpu.memory_space<hbm>>)
    %dma_start3A_231 = arith.constant 1 : i32
    %dma_start3A_232 = arith.constant 0 : i32
    %dma_start3A_233 = arith.constant 0 : i32
    %dma_start3A_234 = tpu.memref_slice %arg4[%dma_start3A_231, %dma_start3A_232, %dma_start3A_233] : memref<2x64x1024xf32, #tpu.memory_space<vmem>> -> memref<1x64x1024xf32, #tpu.memory_space<vmem>>
    %dma_start3A_235 = tpu.memref_squeeze %dma_start3A_234 : memref<1x64x1024xf32, #tpu.memory_space<vmem>> -> memref<64x1024xf32, #tpu.memory_space<vmem>>
    %dma_start3A_236 = arith.constant 0 : i32
    %dma_start3A_237 = tpu.memref_slice %arg2[%add3A_10, %dma_start3A_236] : memref<8192x1024xf32, #tpu.memory_space<hbm>> -> memref<64x1024xf32, #tpu.memory_space<hbm>>
    %dma_start3A_238 = arith.constant 0 : i32
    %dma_start3A_239 = arith.constant 0 : i32
    %dma_start3A_240 = tpu.memref_slice %arg4[%dma_start3A_231, %dma_start3A_238, %dma_start3A_239] : memref<2x64x1024xf32, #tpu.memory_space<vmem>> -> memref<1x64x1024xf32, #tpu.memory_space<vmem>>
    %dma_start3A_241 = tpu.memref_squeeze %dma_start3A_240 : memref<1x64x1024xf32, #tpu.memory_space<vmem>> -> memref<64x1024xf32, #tpu.memory_space<vmem>>
    %dma_start3A_242 = arith.constant 0 : i32
    %dma_start3A_243 = tpu.memref_slice %arg2[%add3A_10, %dma_start3A_242] : memref<8192x1024xf32, #tpu.memory_space<hbm>> -> memref<64x1024xf32, #tpu.memory_space<hbm>>
    tpu.enqueue_dma source(%dma_start3A_243 : memref<64x1024xf32, #tpu.memory_space<hbm>>) target(%dma_start3A_241 : memref<64x1024xf32, #tpu.memory_space<vmem>>) target_semaphore(%arg5 : memref<!tpu.dma_semaphore, #tpu.memory_space<semaphore_mem>>)
    %dma_start3A_244 = arith.constant 0 : i32
    %dma_start3A_245 = arith.constant 0 : i32
    %dma_start3A_246 = arith.constant 0 : i32
    %dma_start3A_247 = arith.constant 0 : i32
    %dma_start3A_248 = tpu.memref_slice %arg4[%dma_start3A_244, %dma_start3A_246, %dma_start3A_247] : memref<2x64x1024xf32, #tpu.memory_space<vmem>> -> memref<1x64x1024xf32, #tpu.memory_space<vmem>>
    %dma_start3A_249 = tpu.memref_squeeze %dma_start3A_248 : memref<1x64x1024xf32, #tpu.memory_space<vmem>> -> memref<64x1024xf32, #tpu.memory_space<vmem>>
    %dma_start3A_250 = arith.constant 0 : i32
    %dma_start3A_251 = tpu.memref_slice %arg3[%dma_start3A_245, %add3A_20, %dma_start3A_250] : memref<2x8192x1024xf32, #tpu.memory_space<hbm>> -> memref<1x64x1024xf32, #tpu.memory_space<hbm>>
    %dma_start3A_252 = tpu.memref_squeeze %dma_start3A_251 : memref<1x64x1024xf32, #tpu.memory_space<hbm>> -> memref<64x1024xf32, #tpu.memory_space<hbm>>
    %dma_start3A_253 = arith.constant 0 : i32
    %dma_start3A_254 = tpu.memref_slice %arg3[%dma_start3A_245, %add3A_20, %dma_start3A_253] : memref<2x8192x1024xf32, #tpu.memory_space<hbm>> -> memref<1x64x1024xf32, #tpu.memory_space<hbm>>
    %dma_start3A_255 = tpu.memref_squeeze %dma_start3A_254 : memref<1x64x1024xf32, #tpu.memory_space<hbm>> -> memref<64x1024xf32, #tpu.memory_space<hbm>>
    %dma_start3A_256 = arith.constant 0 : i32
    %dma_start3A_257 = arith.constant 0 : i32
    %dma_start3A_258 = tpu.memref_slice %arg4[%dma_start3A_244, %dma_start3A_256, %dma_start3A_257] : memref<2x64x1024xf32, #tpu.memory_space<vmem>> -> memref<1x64x1024xf32, #tpu.memory_space<vmem>>
    %dma_start3A_259 = tpu.memref_squeeze %dma_start3A_258 : memref<1x64x1024xf32, #tpu.memory_space<vmem>> -> memref<64x1024xf32, #tpu.memory_space<vmem>>
    tpu.enqueue_dma source(%dma_start3A_259 : memref<64x1024xf32, #tpu.memory_space<vmem>>) target(%dma_start3A_255 : memref<64x1024xf32, #tpu.memory_space<hbm>>) target_semaphore(%arg6 : memref<!tpu.dma_semaphore, #tpu.memory_space<semaphore_mem>>)
    %dma_start3A_260 = arith.constant 0 : i32
    %dma_start3A_261 = arith.constant 1 : i32
    %dma_start3A_262 = arith.constant 0 : i32
    %dma_start3A_263 = arith.constant 0 : i32
    %dma_start3A_264 = tpu.memref_slice %arg4[%dma_start3A_260, %dma_start3A_262, %dma_start3A_263] : memref<2x64x1024xf32, #tpu.memory_space<vmem>> -> memref<1x64x1024xf32, #tpu.memory_space<vmem>>
    %dma_start3A_265 = tpu.memref_squeeze %dma_start3A_264 : memref<1x64x1024xf32, #tpu.memory_space<vmem>> -> memref<64x1024xf32, #tpu.memory_space<vmem>>
    %dma_start3A_266 = arith.constant 0 : i32
    %dma_start3A_267 = tpu.memref_slice %arg3[%dma_start3A_261, %add3A_22, %dma_start3A_266] : memref<2x8192x1024xf32, #tpu.memory_space<hbm>> -> memref<1x64x1024xf32, #tpu.memory_space<hbm>>
    %dma_start3A_268 = tpu.memref_squeeze %dma_start3A_267 : memref<1x64x1024xf32, #tpu.memory_space<hbm>> -> memref<64x1024xf32, #tpu.memory_space<hbm>>
    %dma_start3A_269 = arith.constant 0 : i32
    %dma_start3A_270 = tpu.memref_slice %arg3[%dma_start3A_261, %add3A_22, %dma_start3A_269] : memref<2x8192x1024xf32, #tpu.memory_space<hbm>> -> memref<1x64x1024xf32, #tpu.memory_space<hbm>>
    %dma_start3A_271 = tpu.memref_squeeze %dma_start3A_270 : memref<1x64x1024xf32, #tpu.memory_space<hbm>> -> memref<64x1024xf32, #tpu.memory_space<hbm>>
    %dma_start3A_272 = arith.constant 0 : i32
    %dma_start3A_273 = arith.constant 0 : i32
    %dma_start3A_274 = tpu.memref_slice %arg4[%dma_start3A_260, %dma_start3A_272, %dma_start3A_273] : memref<2x64x1024xf32, #tpu.memory_space<vmem>> -> memref<1x64x1024xf32, #tpu.memory_space<vmem>>
    %dma_start3A_275 = tpu.memref_squeeze %dma_start3A_274 : memref<1x64x1024xf32, #tpu.memory_space<vmem>> -> memref<64x1024xf32, #tpu.memory_space<vmem>>
    tpu.enqueue_dma source(%dma_start3A_275 : memref<64x1024xf32, #tpu.memory_space<vmem>>) target(%dma_start3A_271 : memref<64x1024xf32, #tpu.memory_space<hbm>>) target_semaphore(%arg6 : memref<!tpu.dma_semaphore, #tpu.memory_space<semaphore_mem>>)
    %dma_wait3A_276 = arith.constant 1 : i32
    %dma_wait3A_277 = arith.constant 0 : i32
    %dma_wait3A_278 = arith.constant 0 : i32
    %dma_wait3A_279 = tpu.memref_slice %arg4[%dma_wait3A_276, %dma_wait3A_277, %dma_wait3A_278] : memref<2x64x1024xf32, #tpu.memory_space<vmem>> -> memref<1x64x1024xf32, #tpu.memory_space<vmem>>
    %dma_wait3A_280 = tpu.memref_squeeze %dma_wait3A_279 : memref<1x64x1024xf32, #tpu.memory_space<vmem>> -> memref<64x1024xf32, #tpu.memory_space<vmem>>
    %dma_wait3A_281 = arith.constant 0 : i32
    %dma_wait3A_282 = tpu.memref_slice %arg2[%add3A_10, %dma_wait3A_281] : memref<8192x1024xf32, #tpu.memory_space<hbm>> -> memref<64x1024xf32, #tpu.memory_space<hbm>>
    %dma_wait3A_283 = arith.constant 0 : i32
    %dma_wait3A_284 = arith.constant 0 : i32
    %dma_wait3A_285 = tpu.memref_slice %arg4[%dma_wait3A_276, %dma_wait3A_283, %dma_wait3A_284] : memref<2x64x1024xf32, #tpu.memory_space<vmem>> -> memref<1x64x1024xf32, #tpu.memory_space<vmem>>
    %dma_wait3A_286 = tpu.memref_squeeze %dma_wait3A_285 : memref<1x64x1024xf32, #tpu.memory_space<vmem>> -> memref<64x1024xf32, #tpu.memory_space<vmem>>
    %dma_wait3A_287 = arith.constant 0 : i32
    %dma_wait3A_288 = tpu.memref_slice %arg2[%add3A_10, %dma_wait3A_287] : memref<8192x1024xf32, #tpu.memory_space<hbm>> -> memref<64x1024xf32, #tpu.memory_space<hbm>>
    tpu.wait_dma2 semaphore(%arg5 : memref<!tpu.dma_semaphore, #tpu.memory_space<semaphore_mem>>) src(%dma_wait3A_288 : memref<64x1024xf32, #tpu.memory_space<hbm>>) dst(%dma_wait3A_286 : memref<64x1024xf32, #tpu.memory_space<vmem>>)
    %dma_start3A_289 = arith.constant 1 : i32
    %dma_start3A_290 = arith.constant 0 : i32
    %dma_start3A_291 = arith.constant 0 : i32
    %dma_start3A_292 = arith.constant 0 : i32
    %dma_start3A_293 = tpu.memref_slice %arg4[%dma_start3A_289, %dma_start3A_291, %dma_start3A_292] : memref<2x64x1024xf32, #tpu.memory_space<vmem>> -> memref<1x64x1024xf32, #tpu.memory_space<vmem>>
    %dma_start3A_294 = tpu.memref_squeeze %dma_start3A_293 : memref<1x64x1024xf32, #tpu.memory_space<vmem>> -> memref<64x1024xf32, #tpu.memory_space<vmem>>
    %dma_start3A_295 = arith.constant 0 : i32
    %dma_start3A_296 = tpu.memref_slice %arg3[%dma_start3A_290, %add3A_24, %dma_start3A_295] : memref<2x8192x1024xf32, #tpu.memory_space<hbm>> -> memref<1x64x1024xf32, #tpu.memory_space<hbm>>
    %dma_start3A_297 = tpu.memref_squeeze %dma_start3A_296 : memref<1x64x1024xf32, #tpu.memory_space<hbm>> -> memref<64x1024xf32, #tpu.memory_space<hbm>>
    %dma_start3A_298 = arith.constant 0 : i32
    %dma_start3A_299 = tpu.memref_slice %arg3[%dma_start3A_290, %add3A_24, %dma_start3A_298] : memref<2x8192x1024xf32, #tpu.memory_space<hbm>> -> memref<1x64x1024xf32, #tpu.memory_space<hbm>>
    %dma_start3A_300 = tpu.memref_squeeze %dma_start3A_299 : memref<1x64x1024xf32, #tpu.memory_space<hbm>> -> memref<64x1024xf32, #tpu.memory_space<hbm>>
    %dma_start3A_301 = arith.constant 0 : i32
    %dma_start3A_302 = arith.constant 0 : i32
    %dma_start3A_303 = tpu.memref_slice %arg4[%dma_start3A_289, %dma_start3A_301, %dma_start3A_302] : memref<2x64x1024xf32, #tpu.memory_space<vmem>> -> memref<1x64x1024xf32, #tpu.memory_space<vmem>>
    %dma_start3A_304 = tpu.memref_squeeze %dma_start3A_303 : memref<1x64x1024xf32, #tpu.memory_space<vmem>> -> memref<64x1024xf32, #tpu.memory_space<vmem>>
    tpu.enqueue_dma source(%dma_start3A_304 : memref<64x1024xf32, #tpu.memory_space<vmem>>) target(%dma_start3A_300 : memref<64x1024xf32, #tpu.memory_space<hbm>>) target_semaphore(%arg6 : memref<!tpu.dma_semaphore, #tpu.memory_space<semaphore_mem>>)
    %dma_start3A_305 = arith.constant 1 : i32
    %dma_start3A_306 = arith.constant 1 : i32
    %dma_start3A_307 = arith.constant 0 : i32
    %dma_start3A_308 = arith.constant 0 : i32
    %dma_start3A_309 = tpu.memref_slice %arg4[%dma_start3A_305, %dma_start3A_307, %dma_start3A_308] : memref<2x64x1024xf32, #tpu.memory_space<vmem>> -> memref<1x64x1024xf32, #tpu.memory_space<vmem>>
    %dma_start3A_310 = tpu.memref_squeeze %dma_start3A_309 : memref<1x64x1024xf32, #tpu.memory_space<vmem>> -> memref<64x1024xf32, #tpu.memory_space<vmem>>
    %dma_start3A_311 = arith.constant 0 : i32
    %dma_start3A_312 = tpu.memref_slice %arg3[%dma_start3A_306, %add3A_26, %dma_start3A_311] : memref<2x8192x1024xf32, #tpu.memory_space<hbm>> -> memref<1x64x1024xf32, #tpu.memory_space<hbm>>
    %dma_start3A_313 = tpu.memref_squeeze %dma_start3A_312 : memref<1x64x1024xf32, #tpu.memory_space<hbm>> -> memref<64x1024xf32, #tpu.memory_space<hbm>>
    %dma_start3A_314 = arith.constant 0 : i32
    %dma_start3A_315 = tpu.memref_slice %arg3[%dma_start3A_306, %add3A_26, %dma_start3A_314] : memref<2x8192x1024xf32, #tpu.memory_space<hbm>> -> memref<1x64x1024xf32, #tpu.memory_space<hbm>>
    %dma_start3A_316 = tpu.memref_squeeze %dma_start3A_315 : memref<1x64x1024xf32, #tpu.memory_space<hbm>> -> memref<64x1024xf32, #tpu.memory_space<hbm>>
    %dma_start3A_317 = arith.constant 0 : i32
    %dma_start3A_318 = arith.constant 0 : i32
    %dma_start3A_319 = tpu.memref_slice %arg4[%dma_start3A_305, %dma_start3A_317, %dma_start3A_318] : memref<2x64x1024xf32, #tpu.memory_space<vmem>> -> memref<1x64x1024xf32, #tpu.memory_space<vmem>>
    %dma_start3A_320 = tpu.memref_squeeze %dma_start3A_319 : memref<1x64x1024xf32, #tpu.memory_space<vmem>> -> memref<64x1024xf32, #tpu.memory_space<vmem>>
    tpu.enqueue_dma source(%dma_start3A_320 : memref<64x1024xf32, #tpu.memory_space<vmem>>) target(%dma_start3A_316 : memref<64x1024xf32, #tpu.memory_space<hbm>>) target_semaphore(%arg6 : memref<!tpu.dma_semaphore, #tpu.memory_space<semaphore_mem>>)
    %dma_wait3A_321 = arith.constant 0 : i32
    %dma_wait3A_322 = arith.constant 0 : i32
    %dma_wait3A_323 = arith.constant 0 : i32
    %dma_wait3A_324 = arith.constant 0 : i32
    %dma_wait3A_325 = tpu.memref_slice %arg4[%dma_wait3A_321, %dma_wait3A_323, %dma_wait3A_324] : memref<2x64x1024xf32, #tpu.memory_space<vmem>> -> memref<1x64x1024xf32, #tpu.memory_space<vmem>>
    %dma_wait3A_326 = tpu.memref_squeeze %dma_wait3A_325 : memref<1x64x1024xf32, #tpu.memory_space<vmem>> -> memref<64x1024xf32, #tpu.memory_space<vmem>>
    %dma_wait3A_327 = arith.constant 0 : i32
    %dma_wait3A_328 = tpu.memref_slice %arg3[%dma_wait3A_322, %add3A_20, %dma_wait3A_327] : memref<2x8192x1024xf32, #tpu.memory_space<hbm>> -> memref<1x64x1024xf32, #tpu.memory_space<hbm>>
    %dma_wait3A_329 = tpu.memref_squeeze %dma_wait3A_328 : memref<1x64x1024xf32, #tpu.memory_space<hbm>> -> memref<64x1024xf32, #tpu.memory_space<hbm>>
    %dma_wait3A_330 = arith.constant 0 : i32
    %dma_wait3A_331 = tpu.memref_slice %arg3[%dma_wait3A_322, %add3A_20, %dma_wait3A_330] : memref<2x8192x1024xf32, #tpu.memory_space<hbm>> -> memref<1x64x1024xf32, #tpu.memory_space<hbm>>
    %dma_wait3A_332 = tpu.memref_squeeze %dma_wait3A_331 : memref<1x64x1024xf32, #tpu.memory_space<hbm>> -> memref<64x1024xf32, #tpu.memory_space<hbm>>
    %dma_wait3A_333 = arith.constant 0 : i32
    %dma_wait3A_334 = arith.constant 0 : i32
    %dma_wait3A_335 = tpu.memref_slice %arg4[%dma_wait3A_321, %dma_wait3A_333, %dma_wait3A_334] : memref<2x64x1024xf32, #tpu.memory_space<vmem>> -> memref<1x64x1024xf32, #tpu.memory_space<vmem>>
    %dma_wait3A_336 = tpu.memref_squeeze %dma_wait3A_335 : memref<1x64x1024xf32, #tpu.memory_space<vmem>> -> memref<64x1024xf32, #tpu.memory_space<vmem>>
    tpu.wait_dma2 semaphore(%arg6 : memref<!tpu.dma_semaphore, #tpu.memory_space<semaphore_mem>>) src(%dma_wait3A_336 : memref<64x1024xf32, #tpu.memory_space<vmem>>) dst(%dma_wait3A_332 : memref<64x1024xf32, #tpu.memory_space<hbm>>)
    %dma_wait3A_337 = arith.constant 0 : i32
    %dma_wait3A_338 = arith.constant 1 : i32
    %dma_wait3A_339 = arith.constant 0 : i32
    %dma_wait3A_340 = arith.constant 0 : i32
    %dma_wait3A_341 = tpu.memref_slice %arg4[%dma_wait3A_337, %dma_wait3A_339, %dma_wait3A_340] : memref<2x64x1024xf32, #tpu.memory_space<vmem>> -> memref<1x64x1024xf32, #tpu.memory_space<vmem>>
    %dma_wait3A_342 = tpu.memref_squeeze %dma_wait3A_341 : memref<1x64x1024xf32, #tpu.memory_space<vmem>> -> memref<64x1024xf32, #tpu.memory_space<vmem>>
    %dma_wait3A_343 = arith.constant 0 : i32
    %dma_wait3A_344 = tpu.memref_slice %arg3[%dma_wait3A_338, %add3A_22, %dma_wait3A_343] : memref<2x8192x1024xf32, #tpu.memory_space<hbm>> -> memref<1x64x1024xf32, #tpu.memory_space<hbm>>
    %dma_wait3A_345 = tpu.memref_squeeze %dma_wait3A_344 : memref<1x64x1024xf32, #tpu.memory_space<hbm>> -> memref<64x1024xf32, #tpu.memory_space<hbm>>
    %dma_wait3A_346 = arith.constant 0 : i32
    %dma_wait3A_347 = tpu.memref_slice %arg3[%dma_wait3A_338, %add3A_22, %dma_wait3A_346] : memref<2x8192x1024xf32, #tpu.memory_space<hbm>> -> memref<1x64x1024xf32, #tpu.memory_space<hbm>>
    %dma_wait3A_348 = tpu.memref_squeeze %dma_wait3A_347 : memref<1x64x1024xf32, #tpu.memory_space<hbm>> -> memref<64x1024xf32, #tpu.memory_space<hbm>>
    %dma_wait3A_349 = arith.constant 0 : i32
    %dma_wait3A_350 = arith.constant 0 : i32
    %dma_wait3A_351 = tpu.memref_slice %arg4[%dma_wait3A_337, %dma_wait3A_349, %dma_wait3A_350] : memref<2x64x1024xf32, #tpu.memory_space<vmem>> -> memref<1x64x1024xf32, #tpu.memory_space<vmem>>
    %dma_wait3A_352 = tpu.memref_squeeze %dma_wait3A_351 : memref<1x64x1024xf32, #tpu.memory_space<vmem>> -> memref<64x1024xf32, #tpu.memory_space<vmem>>
    tpu.wait_dma2 semaphore(%arg6 : memref<!tpu.dma_semaphore, #tpu.memory_space<semaphore_mem>>) src(%dma_wait3A_352 : memref<64x1024xf32, #tpu.memory_space<vmem>>) dst(%dma_wait3A_348 : memref<64x1024xf32, #tpu.memory_space<hbm>>)
    %dma_wait3A_353 = arith.constant 1 : i32
    %dma_wait3A_354 = arith.constant 0 : i32
    %dma_wait3A_355 = arith.constant 0 : i32
    %dma_wait3A_356 = arith.constant 0 : i32
    %dma_wait3A_357 = tpu.memref_slice %arg4[%dma_wait3A_353, %dma_wait3A_355, %dma_wait3A_356] : memref<2x64x1024xf32, #tpu.memory_space<vmem>> -> memref<1x64x1024xf32, #tpu.memory_space<vmem>>
    %dma_wait3A_358 = tpu.memref_squeeze %dma_wait3A_357 : memref<1x64x1024xf32, #tpu.memory_space<vmem>> -> memref<64x1024xf32, #tpu.memory_space<vmem>>
    %dma_wait3A_359 = arith.constant 0 : i32
    %dma_wait3A_360 = tpu.memref_slice %arg3[%dma_wait3A_354, %add3A_24, %dma_wait3A_359] : memref<2x8192x1024xf32, #tpu.memory_space<hbm>> -> memref<1x64x1024xf32, #tpu.memory_space<hbm>>
    %dma_wait3A_361 = tpu.memref_squeeze %dma_wait3A_360 : memref<1x64x1024xf32, #tpu.memory_space<hbm>> -> memref<64x1024xf32, #tpu.memory_space<hbm>>
    %dma_wait3A_362 = arith.constant 0 : i32
    %dma_wait3A_363 = tpu.memref_slice %arg3[%dma_wait3A_354, %add3A_24, %dma_wait3A_362] : memref<2x8192x1024xf32, #tpu.memory_space<hbm>> -> memref<1x64x1024xf32, #tpu.memory_space<hbm>>
    %dma_wait3A_364 = tpu.memref_squeeze %dma_wait3A_363 : memref<1x64x1024xf32, #tpu.memory_space<hbm>> -> memref<64x1024xf32, #tpu.memory_space<hbm>>
    %dma_wait3A_365 = arith.constant 0 : i32
    %dma_wait3A_366 = arith.constant 0 : i32
    %dma_wait3A_367 = tpu.memref_slice %arg4[%dma_wait3A_353, %dma_wait3A_365, %dma_wait3A_366] : memref<2x64x1024xf32, #tpu.memory_space<vmem>> -> memref<1x64x1024xf32, #tpu.memory_space<vmem>>
    %dma_wait3A_368 = tpu.memref_squeeze %dma_wait3A_367 : memref<1x64x1024xf32, #tpu.memory_space<vmem>> -> memref<64x1024xf32, #tpu.memory_space<vmem>>
    tpu.wait_dma2 semaphore(%arg6 : memref<!tpu.dma_semaphore, #tpu.memory_space<semaphore_mem>>) src(%dma_wait3A_368 : memref<64x1024xf32, #tpu.memory_space<vmem>>) dst(%dma_wait3A_364 : memref<64x1024xf32, #tpu.memory_space<hbm>>)
    %dma_wait3A_369 = arith.constant 1 : i32
    %dma_wait3A_370 = arith.constant 1 : i32
    %dma_wait3A_371 = arith.constant 0 : i32
    %dma_wait3A_372 = arith.constant 0 : i32
    %dma_wait3A_373 = tpu.memref_slice %arg4[%dma_wait3A_369, %dma_wait3A_371, %dma_wait3A_372] : memref<2x64x1024xf32, #tpu.memory_space<vmem>> -> memref<1x64x1024xf32, #tpu.memory_space<vmem>>
    %dma_wait3A_374 = tpu.memref_squeeze %dma_wait3A_373 : memref<1x64x1024xf32, #tpu.memory_space<vmem>> -> memref<64x1024xf32, #tpu.memory_space<vmem>>
    %dma_wait3A_375 = arith.constant 0 : i32
    %dma_wait3A_376 = tpu.memref_slice %arg3[%dma_wait3A_370, %add3A_26, %dma_wait3A_375] : memref<2x8192x1024xf32, #tpu.memory_space<hbm>> -> memref<1x64x1024xf32, #tpu.memory_space<hbm>>
    %dma_wait3A_377 = tpu.memref_squeeze %dma_wait3A_376 : memref<1x64x1024xf32, #tpu.memory_space<hbm>> -> memref<64x1024xf32, #tpu.memory_space<hbm>>
    %dma_wait3A_378 = arith.constant 0 : i32
    %dma_wait3A_379 = tpu.memref_slice %arg3[%dma_wait3A_370, %add3A_26, %dma_wait3A_378] : memref<2x8192x1024xf32, #tpu.memory_space<hbm>> -> memref<1x64x1024xf32, #tpu.memory_space<hbm>>
    %dma_wait3A_380 = tpu.memref_squeeze %dma_wait3A_379 : memref<1x64x1024xf32, #tpu.memory_space<hbm>> -> memref<64x1024xf32, #tpu.memory_space<hbm>>
    %dma_wait3A_381 = arith.constant 0 : i32
    %dma_wait3A_382 = arith.constant 0 : i32
    %dma_wait3A_383 = tpu.memref_slice %arg4[%dma_wait3A_369, %dma_wait3A_381, %dma_wait3A_382] : memref<2x64x1024xf32, #tpu.memory_space<vmem>> -> memref<1x64x1024xf32, #tpu.memory_space<vmem>>
    %dma_wait3A_384 = tpu.memref_squeeze %dma_wait3A_383 : memref<1x64x1024xf32, #tpu.memory_space<vmem>> -> memref<64x1024xf32, #tpu.memory_space<vmem>>
    tpu.wait_dma2 semaphore(%arg6 : memref<!tpu.dma_semaphore, #tpu.memory_space<semaphore_mem>>) src(%dma_wait3A_384 : memref<64x1024xf32, #tpu.memory_space<vmem>>) dst(%dma_wait3A_380 : memref<64x1024xf32, #tpu.memory_space<hbm>>)
    return
  }
}

module attributes {stable_mosaic.version = 14 : i64} {
  func.func @body(%arg0: i32, %arg1: memref<512x1024xf32, #tpu.memory_space<vmem>>, %arg2: memref<2x512x1024xf32, #tpu.memory_space<vmem>>) attributes {dimension_semantics = [#tpu.dimension_semantics<arbitrary>], iteration_bounds = array<i64: 16>, scalar_prefetch = 0 : i64, scratch_operands = 0 : i64, tpu.core_type = #tpu.core_type<tc>, window_params = [{transform_indices = @transform_0, window_bounds = array<i64: 512, 1024>}, {transform_indices = @transform_1, window_bounds = array<i64: 2, 512, 1024>}]} {
    %get3A = arith.constant 0 : index
    %get3A_0 = arith.constant 0 : index
    %get3A_1 = vector.load %arg1[%get3A, %get3A_0] : memref<512x1024xf32, #tpu.memory_space<vmem>>, vector<512x1024xf32>
    %broadcast_in_dim3A = vector.shape_cast %get3A_1 : vector<512x1024xf32> to vector<1x512x1024xf32>
    %broadcast_in_dim3A_2 = vector.shape_cast %broadcast_in_dim3A : vector<1x512x1024xf32> to vector<1x512x1024xf32>
    %broadcast_in_dim3A_3 = vector.broadcast %broadcast_in_dim3A_2 : vector<1x512x1024xf32> to vector<2x512x1024xf32>
    %swap3A = arith.constant 0 : index
    %swap3A_4 = arith.constant 0 : index
    %swap3A_5 = arith.constant 0 : index
    %swap3A_6 = vector.load %arg2[%swap3A, %swap3A_4, %swap3A_5] : memref<2x512x1024xf32, #tpu.memory_space<vmem>>, vector<2x512x1024xf32>
    tpu.vector_store %arg2[%swap3A, %swap3A_4, %swap3A_5], %broadcast_in_dim3A_3 {strides = array<i32>} : memref<2x512x1024xf32, #tpu.memory_space<vmem>>, vector<2x512x1024xf32>,
    return
  }
  func.func @transform_0(%arg0: i32) -> (i32, i32) {
    %c0_i32 = arith.constant 0 : i32
    %c0_i32_0 = arith.constant 0 : i32
    return %arg0, %c0_i32 : i32, i32
  }
  func.func @transform_1(%arg0: i32) -> (i32, i32, i32) {
    %c0_i32 = arith.constant 0 : i32
    %c0_i32_0 = arith.constant 0 : i32
    %c0_i32_1 = arith.constant 0 : i32
    return %c0_i32, %arg0, %c0_i32_0 : i32, i32, i32
  }
}

</mosaic_0001>

<sc_bundles>
// kernel: kernel.4.cloned.1.call-start
scs
__scs_entry_jumppad:
0x0: {  	(pc) =	sbr.rel $0x88, $3  }
0x1: {  	(tag) =	ssettag $0x0;
	lr =	simm.s32 $0x1  }
0x2: {  	[smem:$0x3FA0] =	sst lr;
	_ =	strace $0xD0000000  }
0x3: {  	_ = 	snop  }
0x4: {  	_ = 	snop  }
0x5: {  	_ = 	snop  }
0x6: {  	_ = 	snop  }
0x7: {  	_ = 	snop  }
__scs_overlays_trampoline_lowered:
0x8: {  	[smem:$0x3FAF] =	sst s0  }
0x9: {  	[smem:$0x3FB0] =	sst s1  }
0xa: {  	[smem:$0x3FB1] =	sst s2  }
0xb: {  	[smem:$0x3FB2] =	sst s3  }
0xc: {  	[smem:$0x3FB3] =	sst s4  }
0xd: {  	[smem:$0x3FB4] =	sst s5  }
0xe: {  	[smem:$0x3FB5] =	sst s6  }
0xf: {  	[smem:$0x3FB6] =	sst s7  }
0x10: {  	[smem:$0x3FB7] =	sst s8  }
0x11: {  	[smem:$0x3FB8] =	sst s9;
	s0 =	simm.s32 @!p0 $0x0  }
0x12: {  	s1 =	sld [smem:$0x3F9E];
	s0 =	simm.s32 @p0 $0x1  }
0x13: {  	[smem:$0x3FB9] =	sst s0;
	s0 =	simm.s32 @!p1 $0x0  }
0x14: {  	s2 =	sld [smem:$0x3F9D];
	s0 =	simm.s32 @p1 $0x1  }
0x15: {  	[smem:$0x3FBA] =	sst s0;
	s0 =	simm.s32 @!p2 $0x0  }
0x16: {  	s3 =	sld [smem:$0x3FDB];
	s0 =	simm.s32 @p2 $0x1  }
0x17: {  	s4 =	simm.s32 $0x1BF5;
	[smem:$0x3FBC] =	sst s0  }
0x18: {  	s0 =	sld [smem:$0x3F9F];
	_ =	swait.ge [sflag:s4], $0x0  }
0x19: {  	s7 =	sld [smem:$0x3FA0]  }
0x1a: {  	s8 =	sadd.s32 $0xFFFFE003, lr  }
0x1b: {  	s9 =	sadd.s32 $0xFFFFFEF7, lr;
	s5 =	simm.s32 $0xFFFFFFFF;
	p2 =	slt.u32 s8, $0xFFFFF086  }
0x1c: {  	p1 =	slt.u32 s9, $0xF7A;
	s5 =	simm.s32 @!p2 $0x0  }
0x1d: {  	s5 =	simm.s32 @p1 $0x1;
	p0 =	seq.s32 s7, s2  }
0x1e: {  	s7 =	smul.u32 @!p0 $0xF7A, s2;
	p2 =	seq.s32 @!p0 s5, $0x0  }
0x1f: {  	s9 =	smul.u32 $0xF7A, s1;
	s8 =	simm.s32 @!p0 $0x1BF5;
	p2 =	por !p2, p0  }
0x20: {  	[sflag:s8] =	ssyncset.s32 @!p0 $0xFFFFF086;
	s6 =	sadd.s32 @!p0 s3, s7;
	s7 =	simm.s32 @!p0 $0x108  }
0x21: {  	s3 =	sadd.s32 s3, s9;
	s6 =	sadd.s32 @!p0 $0x88, s6;
	s7 =	simm.s32 @p2 $0x1082  }
0x22: {  	[simem:s7], [sflag:s8] =	dma.local @!p0 [hbm:s6], $0xF7A  }
0x23: {  	s9 =	sor.u32 $0xD0000000, s2;
	s6 =	simm.s32 $0x108;
	_ =	swait.ge @!p0 [sflag:s8], $0x0  }
0x24: {  	s3 =	sadd.s32 $0x88, s3;
	s6 =	simm.s32 @!p1 $0x1082;
	[sflag:s4] =	ssyncset.s32 $0xFFFFF086  }
0x25: {  	[simem:s6], [sflag:s4] =	dma.local [hbm:s3], $0xF7A  }
0x26: {  	[smem:$0x3FA0] =	sst s1;
	(tag) =	ssettag s2;
	_ =	strace s9  }
0x27: {  	s1 =	sld [smem:$0x3FB0]  }
0x28: {  	s2 =	sld [smem:$0x3FB1]  }
0x29: {  	s4 =	sld [smem:$0x3FB3]  }
0x2a: {  	p0 =	seq.s32 s5, $0x0;
	s5 =	sld [smem:$0x3FB4]  }
0x2b: {  	s6 =	sld [smem:$0x3FB5]  }
0x2c: {  	s7 =	sld [smem:$0x3FB6]  }
0x2d: {  	s3 =	simm.s32 $0x108;
	s8 =	sld [smem:$0x3FB7]  }
0x2e: {  	s3 =	simm.s32 @!p0 $0x1082;
	s9 =	sld [smem:$0x3FB8]  }
0x2f: {  	lr =	sadd.s32 s0, s3;
	s0 =	sld [smem:$0x3FAF]  }
0x30: {  	s3 =	sld [smem:$0x3FB2]  }
0x31: {  	[smem:$0x3FBB] =	sst s10  }
0x32: {  	s10 =	sld [smem:$0x3FB9];
	_ =	sdelay $0x3  }
0x33: {  	p0 =	seq.s32 s10, $0x1;
	s10 =	sld [smem:$0x3FBB];
	_ =	sdelay $0x3  }
0x34: {  	[smem:$0x3FBB] =	sst s10  }
0x35: {  	s10 =	sld [smem:$0x3FBA];
	_ =	sdelay $0x3  }
0x36: {  	p1 =	seq.s32 s10, $0x1;
	s10 =	sld [smem:$0x3FBB];
	_ =	sdelay $0x3  }
0x37: {  	[smem:$0x3FBB] =	sst s10  }
0x38: {  	s10 =	sld [smem:$0x3FBC]  }
0x39: {  	_ = 	snop;
	(pc) =	sbr.ind lr, $3  }
0x3a: {  	_ = 	snop  }
0x3b: {  	_ = 	snop  }
0x3c: {  	p2 =	seq.s32 s10, $0x1;
	s10 =	sld [smem:$0x3FBB]  }
0x3d: {  	_ =	shalt  }
0x3e: {  	_ =	shalt  }
0x3f: {  	_ =	shalt  }
0x40: {  	_ =	shalt  }
0x41: {  	_ =	shalt  }
0x42: {  	_ =	shalt  }
0x43: {  	_ =	shalt  }
0x44: {  	_ =	shalt  }
0x45: {  	_ =	shalt  }
0x46: {  	_ =	shalt  }
0x47: {  	_ =	shalt  }
0x48: {  	_ =	shalt  }
0x49: {  	_ =	shalt  }
0x4a: {  	_ =	shalt  }
0x4b: {  	_ =	shalt  }
0x4c: {  	_ =	shalt  }
0x4d: {  	_ =	shalt  }
0x4e: {  	_ =	shalt  }
0x4f: {  	_ =	shalt  }
0x50: {  	_ =	shalt  }
0x51: {  	_ =	shalt  }
0x52: {  	_ =	shalt  }
0x53: {  	_ =	shalt  }
0x54: {  	_ =	shalt  }
0x55: {  	_ =	shalt  }
0x56: {  	_ =	shalt  }
0x57: {  	_ =	shalt  }
0x58: {  	_ =	shalt  }
0x59: {  	_ =	shalt  }
0x5a: {  	_ =	shalt  }
0x5b: {  	_ =	shalt  }
0x5c: {  	_ =	shalt  }
0x5d: {  	_ =	shalt  }
0x5e: {  	_ =	shalt  }
0x5f: {  	_ =	shalt  }
0x60: {  	_ =	shalt  }
0x61: {  	_ =	shalt  }
0x62: {  	_ =	shalt  }
0x63: {  	_ =	shalt  }
0x64: {  	_ =	shalt  }
0x65: {  	_ =	shalt  }
0x66: {  	_ =	shalt  }
0x67: {  	_ =	shalt  }
0x68: {  	_ =	shalt  }
0x69: {  	_ =	shalt  }
0x6a: {  	_ =	shalt  }
0x6b: {  	_ =	shalt  }
0x6c: {  	_ =	shalt  }
0x6d: {  	_ =	shalt  }
0x6e: {  	_ =	shalt  }
0x6f: {  	_ =	shalt  }
0x70: {  	_ =	shalt  }
0x71: {  	_ =	shalt  }
0x72: {  	_ =	shalt  }
0x73: {  	_ =	shalt  }
0x74: {  	_ =	shalt  }
0x75: {  	_ =	shalt  }
0x76: {  	_ =	shalt  }
0x77: {  	_ =	shalt  }
0x78: {  	_ =	shalt  }
0x79: {  	_ =	shalt  }
0x7a: {  	_ =	shalt  }
0x7b: {  	_ =	shalt  }
0x7c: {  	_ =	shalt  }
0x7d: {  	_ =	shalt  }
0x7e: {  	_ =	shalt  }
0x7f: {  	_ =	shalt  }
0x80: {  	_ =	shalt  }
0x81: {  	_ =	shalt  }
0x82: {  	_ =	shalt  }
0x83: {  	_ =	shalt  }
0x84: {  	_ =	shalt  }
0x85: {  	_ =	shalt  }
0x86: {  	_ =	shalt  }
0x87: {  	_ =	shalt  }
.Lfunc_end0:
.L_simem_size_0:
called_computation_lowered:
.L_overlay_start_0:
0x88: {  	s2 =	sld [smem:$0x3FD9]  }
0x89: {  	s3 =	sld [smem:$0x3FFE];
	_ =	sdelay $0x1  }
0x8a: {  	s1 =	srdreg.scid  }
0x8b: {  	s0 =	sand.u32 $0x1, s1  }
0x8c: {  	s17 =	sshll.u32 s0, $0xA;
	s2 =	sadd.s32 s3, s2  }
0x8d: {  	s2 =	sadd.s32 s2, s17  }
0x8e: {  	[smem:$0x3FC7] =	sst s2  }
0x8f: {  	_ = 	snop  }
0x90: {  	s2 =	sld [smem:$0x3FC9];
	(tm) =	ssettm $0x1  }
0x91: {  	s18 =	sld [smem:$0x3FFB];
	_ =	sdelay $0x3  }
0x92: {  	_ =	strace s18  }
0x93: {  	s3 =	sld [smem:$0x3FFC];
	_ =	sdelay $0x3  }
0x94: {  	_ =	strace s3  }
0x95: {  	s3 =	sld [smem:$0x3FFD];
	_ =	sdelay $0x3  }
0x96: {  	_ =	strace s3  }
0x97: {  	_ =	strace $0x8FFFFFFF  }
0x98: {  	s19 =	sld [smem:$0x3FDB];
	_ =	sdelay $0x1  }
0x99: {  	s4 =	simm.s32 $_scs_section_size  }
0x9a: {  	s5 =	simm.s32 $_size__tile_overlayer_lowered;
	s6 =	simm.s32 $_tile_overlayer_lowered  }
0x9b: {  	s22 =	simm.s32 $0x1BFF;
	s21 =	sshll.u32 s6, $0x1;
	s3 =	sadd.s32 s4, s19  }
0x9c: {  	s7 =	simm.s32 $0x0;
	s20 =	sshll.u32 s5, $0x1;
	s5 =	sadd.s32 s21, s3  }
0x9d: {  	[timem:s7], [sflag:s22] =	dma.local [hbm:s5], s20  }
0x9e: {  	_ =	swait.ge [sflag:s22], s20  }
0x9f: {  	s4 =	ssub.s32 $0x0, s20;
	[sflag:s22] =	ssyncset.done $0x0  }
0xa0: {  	[sflag:s22] =	ssyncadd.s32 s4;
	_ =	sdelay $0x1  }
0xa1: {  	s23 =	simm.s32 $0x1B8B  }
0xa2: {  	_ =	swait.ge [sflag:s23], $0x1  }
0xa3: {  	[sflag:s23] =	ssyncset.done $0x0  }
0xa4: {  	s25 =	simm.s32 $0x1B8E;
	s24 =	sld [smem:$0x3FFE];
	[sflag:s23] =	ssyncadd.s32 $0xFFFFFFFF  }
0xa5: {  	s26 =	simm.s32 $execute0_lowered;
	[smem:$0x3FD2] =	sst s25  }
0xa6: {  	s5 =	sshll.u32 s26, $0x1;
	_ =	strace $0x80000046;
	[dreg:$0x1] =	wrdreg $0xFFFFFFFF  }
0xa7: {  	s28 =	simm.s32 $_size_execute0_lowered;
	s3 =	sadd.s32 s3, s5;
	[dreg:$0x0] =	wrdreg $0x0  }
0xa8: {  	s5 =	sshll.u32 s28, $0x1;
	[dreg:$0x2] =	wrdreg s3  }
0xa9: {  	[dreg:$0x3] =	wrdreg s5  }
0xaa: {  	[dreg:$0x4] =	wrdreg $0xC0  }
0xab: {  	_ =	task [dreg:s7], $0x5FFFF  }
0xac: {  	[dreg:$0x1] =	wrdreg $0xFFFFFFFF  }
0xad: {  	[dreg:$0x0] =	wrdreg $0x60  }
0xae: {  	[dreg:$0x2] =	wrdreg s2  }
0xaf: {  	[dreg:$0x3] =	wrdreg s24  }
0xb0: {  	[dreg:$0x4] =	wrdreg $0x9  }
0xb1: {  	_ =	task.clear_ibuf [dreg:s7], $0x5FFFF;
	_ =	strace $0x90000046  }
0xb2: {  	s29 =	simm.s32 $0x9;
	_ =	strace $0x80000048  }
0xb3: {  	_ =	swait.ge [sflag:s29], $0x1  }
0xb4: {  	[sflag:s29] =	ssyncadd.s32 $0xFFFFFFFF  }
0xb5: {  	_ =	strace $0x90000048  }
0xb6: {  	_ =	sfence  }
0xb7: {  	s30 =	sld [smem:$0x0];
	_ =	sdelay $0x2  }
0xb8: {  	s31 =	sshll.u32 s1, $0xD;
	s1 =	sshrl.u32 s1, $0x2  }
0xb9: {  	s3 =	sand.u32 $0x4000, s31;
	s1 =	sadd.s32 s1, s30  }
0xba: {  	s0 =	sor.u32 s3, s0;
	s1 =	sshll.u32 s1, $0x11  }
0xbb: {  	s0 =	sor.u32 s1, s0  }
0xbc: {  	s0 =	sadd.s32 $0x8F2B, s0  }
0xbd: {  	[sflag:s0] =	ssyncadd.remote.s32 $0x1  }
0xbe: {  	_ =	sfence.sel $0xFFFF  }
0xbf: {  	[dreg:$0x0] =	wrdreg $0xFFFFFFFF;
	(pc) =	sbr.abs _section_cstart, $3  }
0xc0: {  	[dreg:$0x1] =	wrdreg $0xFFFFFFFF  }
0xc1: {  	_ =	task.clear_ibuf [dreg:s7], $0x2FFFF;
	_ =	strace $0x9FFFFFFF  }
0xc2: {  	(tm) =	ssettm $0x7FFFFFFF  }
0xc3: {  	_ =	shalt  }
tec
execute0_lowered:
.L_overlay_start_1:
0x0: {  	(tag) =	ssettag $0x1  }
0x1: {  	s13 =	rddreg [dreg:$0x0]  }
0x2: {  	s5 =	rddreg [dreg:$0x1];
	s2 =	srdreg.scid  }
0x3: {  	s0 =	rddreg [dreg:$0x2];
	s1 =	stileid.u32;
	s18 =	sand.u32 $0x1, s2  }
0x4: {  	s2 =	simm.s32 $0x0;
	s4 =	sshll.u32 s1, $0xF;
	s3 =	sshll.u32 s18, $0x13  }
0x5: {  	[smem:$0x7FF] =	sst s2;
	s14 =	sor.u32 s4, s3  }
0x6: {  	_ =	strace $0x80000047;
	s4 =	simm.s32 $0x1;
	s3 =	sadd.s32 s13, s14  }
0x7: {  	[tilespmem:s2], [sflag:$0x1] =	stream.linear.gather [hbm4b:s3+s2], $0x10000, $0x38;
	v63 =	vld [tilespmem:$0x0]  }
0x8: {  	_ =	swait.ge [sflag:s4], $0x10000  }
0x9: {  	s6 =	simm.s32 $0x10000;
	s11 =	sor.u32 $0x2000, s14;
	[sflag:s4] =	ssyncset.done $0x0  }
0xa: {  	s16 =	sadd.s32 $0x400, s5;
	s5 =	sadd.s32 s13, s11;
	[sflag:s4] =	ssyncadd.s32 $0xFFFF0000  }
0xb: {  	[tilespmem:s6], [sflag:$0x1] =	stream.linear.gather [hbm4b:s5+s2], $0x10000, $0x38;
	v63 =	vld [tilespmem:$0x0]  }
0xc: {  	s7 =	sadd.s32 s16, s14  }
0xd: {  	[hbm4b:s7+s2] =	stream.linear.scatter [tilespmem:s2], [sflag:$0x2], $0x10000, $0x38;
	v63 =	vld [tilespmem:$0x0]  }
0xe: {  	s8 =	sadd.s32 $0x100000, s7  }
0xf: {  	[hbm4b:s8+s2] =	stream.linear.scatter [tilespmem:s2], [sflag:$0x2], $0x10000, $0x38;
	v63 =	vld [tilespmem:$0x0]  }
0x10: {  	_ =	swait.ge [sflag:s4], $0x10000  }
0x11: {  	[sflag:s4] =	ssyncset.done $0x0  }
0x12: {  	s9 =	simm.s32 $0x2;
	[sflag:s4] =	ssyncadd.s32 $0xFFFF0000  }
0x13: {  	_ =	swait.ge [sflag:s9], $0x10000  }
0x14: {  	[sflag:s9] =	ssyncset.done $0x0  }
0x15: {  	[sflag:s9] =	ssyncadd.s32 $0xFFFF0000  }
0x16: {  	_ =	swait.ge [sflag:s9], $0x10000  }
0x17: {  	s15 =	sor.u32 $0x4000, s14;
	[sflag:s9] =	ssyncset.done $0x0  }
0x18: {  	s10 =	sadd.s32 s13, s15;
	[sflag:s9] =	ssyncadd.s32 $0xFFFF0000  }
0x19: {  	[tilespmem:s2], [sflag:$0x1] =	stream.linear.gather [hbm4b:s10+s2], $0x10000, $0x38;
	v63 =	vld [tilespmem:$0x0]  }
0x1a: {  	s11 =	sadd.s32 s16, s11  }
0x1b: {  	[hbm4b:s11+s2] =	stream.linear.scatter [tilespmem:s6], [sflag:$0x2], $0x10000, $0x38;
	v63 =	vld [tilespmem:$0x0]  }
0x1c: {  	s12 =	sadd.s32 $0x102000, s7  }
0x1d: {  	[hbm4b:s12+s2] =	stream.linear.scatter [tilespmem:s6], [sflag:$0x2], $0x10000, $0x38;
	v63 =	vld [tilespmem:$0x0]  }
0x1e: {  	_ =	swait.ge [sflag:s4], $0x10000  }
0x1f: {  	[sflag:s4] =	ssyncset.done $0x0  }
0x20: {  	[sflag:s4] =	ssyncadd.s32 $0xFFFF0000  }
0x21: {  	_ =	swait.ge [sflag:s9], $0x10000  }
0x22: {  	[sflag:s9] =	ssyncset.done $0x0  }
0x23: {  	[sflag:s9] =	ssyncadd.s32 $0xFFFF0000  }
0x24: {  	_ =	swait.ge [sflag:s9], $0x10000  }
0x25: {  	s17 =	sor.u32 $0x6000, s14;
	[sflag:s9] =	ssyncset.done $0x0  }
0x26: {  	s13 =	sadd.s32 s13, s17;
	[sflag:s9] =	ssyncadd.s32 $0xFFFF0000  }
0x27: {  	[tilespmem:s6], [sflag:$0x1] =	stream.linear.gather [hbm4b:s13+s2], $0x10000, $0x38;
	v63 =	vld [tilespmem:$0x0]  }
0x28: {  	s14 =	sadd.s32 s16, s15  }
0x29: {  	[hbm4b:s14+s2] =	stream.linear.scatter [tilespmem:s2], [sflag:$0x2], $0x10000, $0x38;
	v63 =	vld [tilespmem:$0x0]  }
0x2a: {  	s15 =	sadd.s32 $0x104000, s7  }
0x2b: {  	[hbm4b:s15+s2] =	stream.linear.scatter [tilespmem:s2], [sflag:$0x2], $0x10000, $0x38;
	v63 =	vld [tilespmem:$0x0]  }
0x2c: {  	_ =	swait.ge [sflag:s4], $0x10000  }
0x2d: {  	[sflag:s4] =	ssyncset.done $0x0  }
0x2e: {  	s16 =	sadd.s32 s16, s17;
	[sflag:s4] =	ssyncadd.s32 $0xFFFF0000  }
0x2f: {  	[hbm4b:s16+s2] =	stream.linear.scatter [tilespmem:s6], [sflag:$0x2], $0x10000, $0x38;
	v63 =	vld [tilespmem:$0x0]  }
0x30: {  	s17 =	sadd.s32 $0x106000, s7  }
0x31: {  	[hbm4b:s17+s2] =	stream.linear.scatter [tilespmem:s6], [sflag:$0x2], $0x10000, $0x38;
	v63 =	vld [tilespmem:$0x0]  }
0x32: {  	_ =	swait.ge [sflag:s9], $0x10000  }
0x33: {  	s18 =	ssub.s32 $0x2, s18;
	[sflag:s9] =	ssyncset.done $0x0  }
0x34: {  	s19 =	sshrl.u32 s18, $0x1;
	[sflag:s9] =	ssyncadd.s32 $0xFFFF0000  }
0x35: {  	s18 =	ssub.s32 s18, s19;
	_ =	swait.ge [sflag:s9], $0x10000  }
0x36: {  	s18 =	smax.u32 s18, $0x1;
	[sflag:s9] =	ssyncset.done $0x0  }
0x37: {  	p0 =	sne.s32 s18, $0x1;
	[sflag:s9] =	ssyncadd.s32 $0xFFFF0000  }
.Ltmp0:
0x38: {  	_ =	swait.ge [sflag:s9], $0x10000;
	(pc) =	sbr.rel @!p0 .LBB2_2-.Ltmp0, $4  }
0x39: {  	[sflag:s9] =	ssyncset.done $0x0  }
0x3a: {  	[sflag:s9] =	ssyncadd.s32 $0xFFFF0000  }
0x3b: {  	_ =	swait.ge [sflag:s9], $0x10000  }
0x3c: {  	s18 =	sadd.s32 $0xFFFFFFFF, s18;
	[sflag:s9] =	ssyncset.done $0x0  }
.LBB2_1:
0x3d: {  	p0 =	sne.s32 s18, $0x1;
	s18 =	sadd.s32 $0xFFFFFFFF, s18;
	[sflag:s9] =	ssyncadd.s32 $0xFFFF0000  }
0x3e: {  	[tilespmem:s2], [sflag:$0x1] =	stream.linear.gather [hbm4b:s3+s2], $0x10000, $0x38;
	v63 =	vld [tilespmem:$0x0]  }
0x3f: {  	_ =	swait.ge [sflag:s4], $0x10000  }
0x40: {  	[sflag:s4] =	ssyncset.done $0x0  }
0x41: {  	[sflag:s4] =	ssyncadd.s32 $0xFFFF0000  }
0x42: {  	[tilespmem:s6], [sflag:$0x1] =	stream.linear.gather [hbm4b:s5+s2], $0x10000, $0x38;
	v63 =	vld [tilespmem:$0x0]  }
0x43: {  	_ = 	snop  }
0x44: {  	[hbm4b:s7+s2] =	stream.linear.scatter [tilespmem:s2], [sflag:$0x2], $0x10000, $0x38;
	v63 =	vld [tilespmem:$0x0]  }
0x45: {  	_ = 	snop  }
0x46: {  	[hbm4b:s8+s2] =	stream.linear.scatter [tilespmem:s2], [sflag:$0x2], $0x10000, $0x38;
	v63 =	vld [tilespmem:$0x0]  }
0x47: {  	_ =	swait.ge [sflag:s4], $0x10000  }
0x48: {  	[sflag:s4] =	ssyncset.done $0x0  }
0x49: {  	[sflag:s4] =	ssyncadd.s32 $0xFFFF0000  }
0x4a: {  	_ =	swait.ge [sflag:s9], $0x10000  }
0x4b: {  	[sflag:s9] =	ssyncset.done $0x0  }
0x4c: {  	[sflag:s9] =	ssyncadd.s32 $0xFFFF0000  }
0x4d: {  	_ =	swait.ge [sflag:s9], $0x10000  }
0x4e: {  	[sflag:s9] =	ssyncset.done $0x0  }
0x4f: {  	[sflag:s9] =	ssyncadd.s32 $0xFFFF0000  }
0x50: {  	[tilespmem:s2], [sflag:$0x1] =	stream.linear.gather [hbm4b:s10+s2], $0x10000, $0x38;
	v63 =	vld [tilespmem:$0x0]  }
0x51: {  	_ = 	snop  }
0x52: {  	[hbm4b:s11+s2] =	stream.linear.scatter [tilespmem:s6], [sflag:$0x2], $0x10000, $0x38;
	v63 =	vld [tilespmem:$0x0]  }
0x53: {  	_ = 	snop  }
0x54: {  	[hbm4b:s12+s2] =	stream.linear.scatter [tilespmem:s6], [sflag:$0x2], $0x10000, $0x38;
	v63 =	vld [tilespmem:$0x0]  }
0x55: {  	_ =	swait.ge [sflag:s4], $0x10000  }
0x56: {  	[sflag:s4] =	ssyncset.done $0x0  }
0x57: {  	[sflag:s4] =	ssyncadd.s32 $0xFFFF0000  }
0x58: {  	_ =	swait.ge [sflag:s9], $0x10000  }
0x59: {  	[sflag:s9] =	ssyncset.done $0x0  }
0x5a: {  	[sflag:s9] =	ssyncadd.s32 $0xFFFF0000  }
0x5b: {  	_ =	swait.ge [sflag:s9], $0x10000  }
0x5c: {  	[sflag:s9] =	ssyncset.done $0x0  }
0x5d: {  	[sflag:s9] =	ssyncadd.s32 $0xFFFF0000  }
0x5e: {  	[tilespmem:s6], [sflag:$0x1] =	stream.linear.gather [hbm4b:s13+s2], $0x10000, $0x38;
	v63 =	vld [tilespmem:$0x0]  }
0x5f: {  	_ = 	snop  }
0x60: {  	[hbm4b:s14+s2] =	stream.linear.scatter [tilespmem:s2], [sflag:$0x2], $0x10000, $0x38;
	v63 =	vld [tilespmem:$0x0]  }
0x61: {  	_ = 	snop  }
0x62: {  	[hbm4b:s15+s2] =	stream.linear.scatter [tilespmem:s2], [sflag:$0x2], $0x10000, $0x38;
	v63 =	vld [tilespmem:$0x0]  }
0x63: {  	_ =	swait.ge [sflag:s4], $0x10000  }
0x64: {  	[sflag:s4] =	ssyncset.done $0x0  }
0x65: {  	[sflag:s4] =	ssyncadd.s32 $0xFFFF0000  }
0x66: {  	[hbm4b:s16+s2] =	stream.linear.scatter [tilespmem:s6], [sflag:$0x2], $0x10000, $0x38;
	v63 =	vld [tilespmem:$0x0]  }
0x67: {  	_ = 	snop  }
0x68: {  	[hbm4b:s17+s2] =	stream.linear.scatter [tilespmem:s6], [sflag:$0x2], $0x10000, $0x38;
	v63 =	vld [tilespmem:$0x0]  }
0x69: {  	_ =	swait.ge [sflag:s9], $0x10000  }
0x6a: {  	[sflag:s9] =	ssyncset.done $0x0  }
0x6b: {  	[sflag:s9] =	ssyncadd.s32 $0xFFFF0000  }
0x6c: {  	_ =	swait.ge [sflag:s9], $0x10000  }
0x6d: {  	[sflag:s9] =	ssyncset.done $0x0  }
0x6e: {  	[sflag:s9] =	ssyncadd.s32 $0xFFFF0000  }
.Ltmp1:
0x6f: {  	_ =	swait.ge [sflag:s9], $0x10000;
	(pc) =	sbr.rel @p0 .LBB2_1-.Ltmp1, $4  }
0x70: {  	[sflag:s9] =	ssyncset.done $0x0  }
0x71: {  	[sflag:s9] =	ssyncadd.s32 $0xFFFF0000  }
0x72: {  	_ =	swait.ge [sflag:s9], $0x10000  }
0x73: {  	[sflag:s9] =	ssyncset.done $0x0  }
.LBB2_2:
0x74: {  	[sflag:s9] =	ssyncadd.s32 $0xFFFF0000  }
0x75: {  	_ =	sfence.sel $0x180000  }
0x76: {  	[bflag:$0x0] =	sbarrier.arrive $0xFFFF  }
0x77: {  	p0 =	sne.s32 s1, $0x0;
	_ =	strace $0x90000047  }
0x78: {  	s0 =	sadd.s32 @!p0 $0x100000, s0;
	[bflag:$0x2] =	sbarrier.arrive $0xFFFF  }
0x79: {  	[sflag:s0] =	ssyncadd.tile.s32 @!p0 $0x1;
	_ =	shalt  }
.Lfunc_end2:
_tile_overlayer_lowered:
.L_overlay_start_2:
0x7a: {  	(tag) =	ssettag $0x2  }
0x7b: {  	s0 =	rddreg [dreg:$0x0];
	s2 =	stileid.u32  }
0x7c: {  	s1 =	rddreg [dreg:$0x1];
	p0 =	sne.s32 s2, $0x0  }
0x7d: {  	s3 =	rddreg [dreg:$0x2];
	[bflag:$0x3] =	sbarrier.arrive $0xFFFF;
	s2 =	simm.s32 @!p0 $0x1C03  }
0x7e: {  	[timem:s3], [sflag:s2] =	dma.local @!p0 [hbm:s0], s1  }
0x7f: {  	s0 =	simm.s32 @!p0 $0x3  }
0x80: {  	_ =	swait.ge @!p0 [sflag:s0], s1  }
0x81: {  	s1 =	ssub.s32 @!p0 $0x0, s1;
	[sflag:s0] =	ssyncset.done @!p0 $0x0  }
0x82: {  	[sflag:s0] =	ssyncadd.s32 @!p0 s1  }
0x83: {  	[bflag:$0x3] =	sbarrier.arrive $0xFFFF  }
0x84: {  	_ =	shalt  }

</sc_bundles>
